<compile_context>
chip_gen: v7x
topology: tpu7x:2x2x1
jax: 0.10.2.dev20260603
libtpu: 0.0.44.dev20260713+nightly
codegen_flags: <defaults>
</compile_context>

<pallas_src>
import functools

import jax
import jax.numpy as jnp
from jax import lax
from jax.experimental import pallas as pl
from jax.experimental.pallas import tpu as pltpu
from jax.experimental.pallas import tpu_sc as plsc

NC = 2
NS = 16
NW = NC * NS
B = 128
ZB = 128
LANES = 16
FH = 64


def _sc_mesh():
  return plsc.VectorSubcoreMesh(core_axis_name="c", subcore_axis_name="s")


_SC_PARAMS = pltpu.CompilerParams(use_tc_tiling_on_sc=False)


def _deg_hist(rc, npad, chunks):
  rows_per_sub = npad // NS

  @functools.partial(
      pl.kernel,
      out_type=jax.ShapeDtypeStruct((NC, npad, LANES), jnp.float32),
      mesh=_sc_mesh(),
      scratch_types=[
          pltpu.VMEM((chunks, B), jnp.int32),
          pltpu.VMEM((B, LANES), jnp.float32),
          pltpu.VMEM_SHARED((npad, LANES), jnp.float32),
      ],
      compiler_params=_SC_PARAMS,
  )
  def k(rc_hbm, out_hbm, col_v, ones_v, acc):
    c = lax.axis_index("c")
    s = lax.axis_index("s")
    wid = s * NC + c
    pltpu.sync_copy(rc_hbm.at[1].at[wid], col_v)

    @pl.loop(0, B)
    def _(i):
      ones_v[i, pl.ds(0, LANES)] = jnp.zeros((LANES,), jnp.float32)

    @pl.loop(0, rows_per_sub, step=ZB)
    def _(r):
      pltpu.sync_copy(ones_v.at[pl.ds(0, ZB)],
                      acc.at[pl.ds(s * rows_per_sub + r, ZB)])

    @pl.loop(0, B)
    def _(i):
      ones_v[i, pl.ds(0, LANES)] = jnp.ones((LANES,), jnp.float32)

    plsc.subcore_barrier()

    @pl.loop(0, chunks)
    def _(j):
      pltpu.sync_copy(ones_v, acc.at[col_v.at[j]], add=True)

    plsc.subcore_barrier()
    sl = pl.ds(s * rows_per_sub, rows_per_sub)
    pltpu.sync_copy(acc.at[sl], out_hbm.at[c].at[sl])

  return k(rc)


def _edge_agg_split(gh, rc, npad, chunks):
  rows_per_sub = npad // NS

  @functools.partial(
      pl.kernel,
      out_type=jax.ShapeDtypeStruct((NC, npad, FH), jnp.float32),
      mesh=_sc_mesh(),
      scratch_types=[
          pltpu.VMEM((chunks, B), jnp.int32),
          pltpu.VMEM((chunks, B), jnp.int32),
          pltpu.VMEM((B, FH), jnp.float32),
          pltpu.VMEM((ZB, FH), jnp.float32),
          pltpu.VMEM_SHARED((npad, FH), jnp.float32),
          pltpu.VMEM_SHARED((npad, FH), jnp.float32),
          pltpu.SemaphoreType.DMA,
      ],
      compiler_params=_SC_PARAMS,
  )
  def k(g_hbm, rc_hbm, out_hbm, row_v, col_v, buf, zbuf, table, acc, sem):
    c = lax.axis_index("c")
    s = lax.axis_index("s")
    sl = pl.ds(s * rows_per_sub, rows_per_sub)

    @pl.loop(0, ZB)
    def _(i):
      for j in range(FH // LANES):
        zbuf[i, pl.ds(j * LANES, LANES)] = jnp.zeros((LANES,), jnp.float32)

    pltpu.sync_copy(g_hbm.at[c].at[sl], table.at[sl])

    @pl.loop(0, rows_per_sub, step=ZB)
    def _(r):
      pltpu.sync_copy(zbuf, acc.at[pl.ds(s * rows_per_sub + r, ZB)])

    plsc.subcore_barrier()

    for w in range(2):
      wid = 2 * s + w
      pltpu.sync_copy(rc_hbm.at[0].at[wid], row_v)
      pltpu.sync_copy(rc_hbm.at[1].at[wid], col_v)

      @pl.loop(0, chunks)
      def _(j):
        pltpu.async_copy(table.at[row_v.at[j]], buf, sem).wait()
        pltpu.sync_copy(buf, acc.at[col_v.at[j]], add=True)

    plsc.subcore_barrier()
    pltpu.sync_copy(acc.at[sl], out_hbm.at[c].at[sl])

  return k(gh, rc)


def _edge_agg(gh, rc, npad, passes, chunks):
  rows_per_sub = npad // NS

  @functools.partial(
      pl.kernel,
      out_type=jax.ShapeDtypeStruct((NC, passes, npad, FH), jnp.float32),
      mesh=_sc_mesh(),
      scratch_types=[
          pltpu.VMEM((chunks, B), jnp.int32),
          pltpu.VMEM((chunks, B), jnp.int32),
          pltpu.VMEM((B, FH), jnp.float32),
          pltpu.VMEM((ZB, FH), jnp.float32),
          pltpu.VMEM_SHARED((npad, FH), jnp.float32),
          pltpu.VMEM_SHARED((npad, FH), jnp.float32),
          pltpu.SemaphoreType.DMA,
      ],
      compiler_params=_SC_PARAMS,
  )
  def k(g_hbm, rc_hbm, out_hbm, row_v, col_v, buf, zbuf, table,
        acc, sem):
    c = lax.axis_index("c")
    s = lax.axis_index("s")
    wid = s * NC + c
    sl = pl.ds(s * rows_per_sub, rows_per_sub)

    pltpu.sync_copy(rc_hbm.at[0].at[wid], row_v)
    pltpu.sync_copy(rc_hbm.at[1].at[wid], col_v)

    @pl.loop(0, ZB)
    def _(i):
      for j in range(FH // LANES):
        zbuf[i, pl.ds(j * LANES, LANES)] = jnp.zeros((LANES,), jnp.float32)

    for p in range(passes):
      pltpu.sync_copy(g_hbm.at[p].at[sl], table.at[sl])

      @pl.loop(0, rows_per_sub, step=ZB)
      def _(r):
        pltpu.sync_copy(zbuf, acc.at[pl.ds(s * rows_per_sub + r, ZB)])

      plsc.subcore_barrier()

      @pl.loop(0, chunks)
      def _(j):
        pltpu.async_copy(table.at[row_v.at[j]], buf, sem).wait()
        pltpu.sync_copy(buf, acc.at[col_v.at[j]], add=True)

      plsc.subcore_barrier()
      pltpu.sync_copy(acc.at[sl], out_hbm.at[c].at[p].at[sl])
      plsc.subcore_barrier()

  return k(gh, rc)


def _mm_scale(xp, w, degp, n_real):
  m, kdim = xp.shape
  h = w.shape[1]
  bm = 1024
  halves = h // FH

  def body(x_ref, w_ref, dg_ref, dinv_ref, g_ref):
    i = pl.program_id(0)
    rowid = lax.broadcasted_iota(jnp.int32, (bm, 1), 0) + i * bm
    deg = (dg_ref[0, :, 0:1] + dg_ref[1, :, 0:1]
           + jnp.where(rowid < n_real, 1.0, 0.0))
    dinv = jnp.where(deg > 0, lax.rsqrt(jnp.maximum(deg, 1e-12)), 0.0)
    dinv_ref[...] = jnp.broadcast_to(dinv, (bm, LANES))
    g = dinv * jnp.dot(x_ref[...], w_ref[...],
                       preferred_element_type=jnp.float32)
    for p in range(halves):
      g_ref[p, :, :] = g[:, p * FH:(p + 1) * FH]

  return pl.pallas_call(
      body,
      grid=(m // bm,),
      in_specs=[pl.BlockSpec((bm, kdim), lambda i: (i, 0)),
                pl.BlockSpec((kdim, h), lambda i: (0, 0)),
                pl.BlockSpec((NC, bm, LANES), lambda i: (0, i, 0))],
      out_specs=[pl.BlockSpec((bm, LANES), lambda i: (i, 0)),
                 pl.BlockSpec((halves, bm, FH), lambda i: (0, i, 0))],
      out_shape=[jax.ShapeDtypeStruct((m, LANES), jnp.float32),
                 jax.ShapeDtypeStruct((halves, m, FH), jnp.float32)],
  )(xp, w, degp)


def _layer2_in(s1, g1h, dinv, b1r, w2):
  halves, m, fh = s1.shape
  h = halves * fh
  c = w2.shape[1]
  bm = 1024

  def body(s_ref, g_ref, dv, b, w, g2_ref):
    d = dv[:, 0:1]
    zs = []
    for p in range(halves):
      t = s_ref[p, :, :] + g_ref[p, :, :]
      zs.append(jnp.maximum(d * t + b[0:1, p * fh:(p + 1) * fh], 0.0))
    z = jnp.concatenate(zs, axis=1)
    g2_ref[0, :, :] = d * jnp.dot(z, w[...],
                                  preferred_element_type=jnp.float32)

  return pl.pallas_call(
      body,
      grid=(m // bm,),
      in_specs=[pl.BlockSpec((halves, bm, fh), lambda i: (0, i, 0)),
                pl.BlockSpec((halves, bm, fh), lambda i: (0, i, 0)),
                pl.BlockSpec((bm, LANES), lambda i: (i, 0)),
                pl.BlockSpec((1, h), lambda i: (0, 0)),
                pl.BlockSpec((h, c), lambda i: (0, 0))],
      out_specs=pl.BlockSpec((1, bm, c), lambda i: (0, i, 0)),
      out_shape=jax.ShapeDtypeStruct((1, m, c), jnp.float32),
  )(s1, g1h, dinv, b1r, w2)


def _finish(s2, g2h, dinv, b2r, n_out):
  nc, _, m, c = s2.shape
  bm = 400 if n_out % 400 == 0 else None

  def body(s_ref, g_ref, dv, b, o_ref):
    d = dv[:, 0:1]
    o_ref[...] = (d * (s_ref[0, 0, :, :] + s_ref[1, 0, :, :]
                       + g_ref[0, :, :]) + b[0:1, :])

  if bm is None:
    bm, rows = 1024, m
  else:
    rows = n_out
  out = pl.pallas_call(
      body,
      grid=(rows // bm,),
      in_specs=[pl.BlockSpec((nc, 1, bm, c), lambda i: (0, 0, i, 0)),
                pl.BlockSpec((1, bm, c), lambda i: (0, i, 0)),
                pl.BlockSpec((bm, LANES), lambda i: (i, 0)),
                pl.BlockSpec((1, c), lambda i: (0, 0))],
      out_specs=pl.BlockSpec((bm, c), lambda i: (i, 0)),
      out_shape=jax.ShapeDtypeStruct((rows, c), jnp.float32),
  )(s2, g2h, dinv, b2r)
  return out[:n_out]


def _ceil_to(v, mult):
  return (v + mult - 1) // mult * mult


@jax.jit
def kernel(x, adjs, W1, b1, W2, b2):
  n, _ = x.shape
  h = W1.shape[1]
  c = W2.shape[1]
  e = adjs.shape[1]

  npad = _ceil_to(n + 1, NS * ZB)
  chunks = _ceil_to(e, NW * B) // (NW * B)
  epad = chunks * NW * B

  pad_idx = jnp.full((2, epad - e), n, jnp.int32)
  rc = jnp.concatenate([adjs.astype(jnp.int32), pad_idx],
                       axis=1).reshape(2, NW, chunks, B)
  xp = jnp.pad(x, ((0, npad - n), (0, 0)))

  degp = _deg_hist(rc, npad, chunks)
  dinv, g1h = _mm_scale(xp, W1, degp, n)
  s1 = _edge_agg_split(g1h, rc, npad, chunks)
  g2h = _layer2_in(s1, g1h, dinv, b1.reshape(1, h), W2)
  s2 = _edge_agg(g2h, rc, npad, c // FH, chunks)
  return _finish(s2, g2h, dinv, b2.reshape(1, c), n)

# --- scband reference (transcript-rebuilt; emitter-appended) ---
"""Pipeline reference for scband-gcn-64364379898607 (READ-ONLY COPY).

The authoritative reference and input builder live on the scoring server;
editing this copy changes nothing except your own understanding.
"""

import jax, jax.numpy as jnp
import numpy as np

N = 10000
E = 320000
F_IN = 128
H = 128
C = 64


def setup_inputs(seed: int = 0) -> dict:
    key = jax.random.key(seed)
    k1, k2, k3, k4, k5, k6 = jax.random.split(key, 6)
    x = jax.random.normal(k1, (N, F_IN), dtype=jnp.float32)
    edge_index = jax.random.randint(k2, (2, E), 0, N)
    # Glorot-style init for GCN layer weights, zeros for biases
    W1 = jax.random.normal(k3, (F_IN, H), dtype=jnp.float32) * (1.0 / np.sqrt(F_IN))
    b1 = jnp.zeros((H,), dtype=jnp.float32)
    W2 = jax.random.normal(k4, (H, C), dtype=jnp.float32) * (1.0 / np.sqrt(H))
    b2 = jnp.zeros((C,), dtype=jnp.float32)
    return {"x": x, "adjs": edge_index, "W1": W1, "b1": b1, "W2": W2, "b2": b2}


def _gcn_conv(x, edge_index, W, b, num_nodes):
    # Linear transform
    h = x @ W
    row, col = edge_index[0], edge_index[1]
    # Add self-loops (standard GCN normalization, norm=None path)
    loop = jnp.arange(num_nodes, dtype=row.dtype)
    row = jnp.concatenate([row, loop])
    col = jnp.concatenate([col, loop])
    # Symmetric normalization: D^{-1/2} A D^{-1/2}
    deg = jax.ops.segment_sum(jnp.ones_like(col, dtype=h.dtype), col, num_segments=num_nodes)
    deg_inv_sqrt = jnp.where(deg > 0, jax.lax.rsqrt(jnp.maximum(deg, 1e-12)), 0.0)
    norm = deg_inv_sqrt[row] * deg_inv_sqrt[col]
    # Gather messages from source nodes, scale, scatter-add to destinations
    msg = h[row] * norm[:, None]
    out = jax.ops.segment_sum(msg, col, num_segments=num_nodes)
    return out + b


def reference(x, adjs, W1, b1, W2, b2):
    num_nodes = x.shape[0]
    h = _gcn_conv(x, adjs, W1, b1, num_nodes)
    h = jax.nn.relu(h)
    # dropout omitted (eval-mode / deterministic reference)
    out = _gcn_conv(h, adjs, W2, b2, num_nodes)
    return out

if __name__ == "__main__":
    import jax
    _d = setup_inputs()
    print(jax.jit(kernel)(*tuple(_d.values())))

</pallas_src>

<mosaic_0001>
#map = affine_map<(d0, d1) -> (0, 0, 0)>
#map1 = affine_map<(d0, d1) -> (0, 0, 0, 0)>
module attributes {stable_mosaic.version = 14 : i64} {
  func.func @k(%arg0: i32, %arg1: i32, %arg2: memref<1x10240x64xf32, #tpu.memory_space<hbm>>, %arg3: memref<2x32x79x128xi32, #tpu.memory_space<hbm>>, %arg4: memref<2x1x10240x64xf32, #tpu.memory_space<hbm>>, %arg5: memref<79x128xi32, #tpu.memory_space<vmem>>, %arg6: memref<79x128xi32, #tpu.memory_space<vmem>>, %arg7: memref<128x64xf32, #tpu.memory_space<vmem>>, %arg8: memref<128x64xf32, #tpu.memory_space<vmem>>, %arg9: memref<10240x64xf32, #tpu.memory_space<vmem_shared>>, %arg10: memref<10240x64xf32, #tpu.memory_space<vmem_shared>>, %arg11: memref<!tpu.dma_semaphore, #tpu.memory_space<semaphore_mem>>) attributes {dimension_semantics = [#tpu.dimension_semantics<core_parallel>, #tpu.dimension_semantics<subcore_parallel>], iteration_bounds = array<i64: 2, 16>, scalar_prefetch = 0 : i64, scratch_operands = 7 : i64, tpu.core_type = #tpu.core_type<sc_vector_subcore>, window_params = [{transform_indices = #map}, {transform_indices = #map1}, {transform_indices = #map1}]} {
    %mul3A = arith.constant 2 : i32
    %mul3A_0 = arith.muli %arg1, %mul3A : i32
    %add3A = arith.addi %mul3A_0, %arg0 : i32
    %mul3A_1 = arith.constant 640 : i32
    %mul3A_2 = arith.muli %arg1, %mul3A_1 : i32
    %run_scoped3A = arith.constant 0 : i32
    "tpu.region"() ({
      %run_scoped3A_22 = tpu.sem_alloc : memref<!tpu.dma_semaphore, #tpu.memory_space<semaphore_mem>>
      %dma_start3A = arith.constant 0 : i32
      %dma_start3A_23 = arith.constant 0 : i32
      %dma_start3A_24 = arith.constant 0 : i32
      %dma_start3A_25 = tpu.memref_slice %arg3[%run_scoped3A, %dma_start3A, %dma_start3A_23, %dma_start3A_24] : memref<2x32x79x128xi32, #tpu.memory_space<hbm>> -> memref<1x32x79x128xi32, #tpu.memory_space<hbm>>
      %dma_start3A_26 = tpu.memref_squeeze %dma_start3A_25 : memref<1x32x79x128xi32, #tpu.memory_space<hbm>> -> memref<32x79x128xi32, #tpu.memory_space<hbm>>
      %dma_start3A_27 = arith.constant 0 : i32
      %dma_start3A_28 = arith.constant 0 : i32
      %dma_start3A_29 = tpu.memref_slice %dma_start3A_26[%add3A, %dma_start3A_27, %dma_start3A_28] : memref<32x79x128xi32, #tpu.memory_space<hbm>> -> memref<1x79x128xi32, #tpu.memory_space<hbm>>
      %dma_start3A_30 = tpu.memref_squeeze %dma_start3A_29 : memref<1x79x128xi32, #tpu.memory_space<hbm>> -> memref<79x128xi32, #tpu.memory_space<hbm>>
      %dma_start3A_31 = arith.constant 0 : i32
      %dma_start3A_32 = arith.constant 0 : i32
      %dma_start3A_33 = arith.constant 0 : i32
      %dma_start3A_34 = tpu.memref_slice %arg3[%run_scoped3A, %dma_start3A_31, %dma_start3A_32, %dma_start3A_33] : memref<2x32x79x128xi32, #tpu.memory_space<hbm>> -> memref<1x32x79x128xi32, #tpu.memory_space<hbm>>
      %dma_start3A_35 = tpu.memref_squeeze %dma_start3A_34 : memref<1x32x79x128xi32, #tpu.memory_space<hbm>> -> memref<32x79x128xi32, #tpu.memory_space<hbm>>
      %dma_start3A_36 = arith.constant 0 : i32
      %dma_start3A_37 = arith.constant 0 : i32
      %dma_start3A_38 = tpu.memref_slice %dma_start3A_35[%add3A, %dma_start3A_36, %dma_start3A_37] : memref<32x79x128xi32, #tpu.memory_space<hbm>> -> memref<1x79x128xi32, #tpu.memory_space<hbm>>
      %dma_start3A_39 = tpu.memref_squeeze %dma_start3A_38 : memref<1x79x128xi32, #tpu.memory_space<hbm>> -> memref<79x128xi32, #tpu.memory_space<hbm>>
      tpu.enqueue_dma source(%dma_start3A_39 : memref<79x128xi32, #tpu.memory_space<hbm>>) target(%arg5 : memref<79x128xi32, #tpu.memory_space<vmem>>) target_semaphore(%run_scoped3A_22 : memref<!tpu.dma_semaphore, #tpu.memory_space<semaphore_mem>>)
      %dma_wait3A = arith.constant 0 : i32
      %dma_wait3A_40 = arith.constant 0 : i32
      %dma_wait3A_41 = arith.constant 0 : i32
      %dma_wait3A_42 = tpu.memref_slice %arg3[%run_scoped3A, %dma_wait3A, %dma_wait3A_40, %dma_wait3A_41] : memref<2x32x79x128xi32, #tpu.memory_space<hbm>> -> memref<1x32x79x128xi32, #tpu.memory_space<hbm>>
      %dma_wait3A_43 = tpu.memref_squeeze %dma_wait3A_42 : memref<1x32x79x128xi32, #tpu.memory_space<hbm>> -> memref<32x79x128xi32, #tpu.memory_space<hbm>>
      %dma_wait3A_44 = arith.constant 0 : i32
      %dma_wait3A_45 = arith.constant 0 : i32
      %dma_wait3A_46 = tpu.memref_slice %dma_wait3A_43[%add3A, %dma_wait3A_44, %dma_wait3A_45] : memref<32x79x128xi32, #tpu.memory_space<hbm>> -> memref<1x79x128xi32, #tpu.memory_space<hbm>>
      %dma_wait3A_47 = tpu.memref_squeeze %dma_wait3A_46 : memref<1x79x128xi32, #tpu.memory_space<hbm>> -> memref<79x128xi32, #tpu.memory_space<hbm>>
      %dma_wait3A_48 = arith.constant 0 : i32
      %dma_wait3A_49 = arith.constant 0 : i32
      %dma_wait3A_50 = arith.constant 0 : i32
      %dma_wait3A_51 = tpu.memref_slice %arg3[%run_scoped3A, %dma_wait3A_48, %dma_wait3A_49, %dma_wait3A_50] : memref<2x32x79x128xi32, #tpu.memory_space<hbm>> -> memref<1x32x79x128xi32, #tpu.memory_space<hbm>>
      %dma_wait3A_52 = tpu.memref_squeeze %dma_wait3A_51 : memref<1x32x79x128xi32, #tpu.memory_space<hbm>> -> memref<32x79x128xi32, #tpu.memory_space<hbm>>
      %dma_wait3A_53 = arith.constant 0 : i32
      %dma_wait3A_54 = arith.constant 0 : i32
      %dma_wait3A_55 = tpu.memref_slice %dma_wait3A_52[%add3A, %dma_wait3A_53, %dma_wait3A_54] : memref<32x79x128xi32, #tpu.memory_space<hbm>> -> memref<1x79x128xi32, #tpu.memory_space<hbm>>
      %dma_wait3A_56 = tpu.memref_squeeze %dma_wait3A_55 : memref<1x79x128xi32, #tpu.memory_space<hbm>> -> memref<79x128xi32, #tpu.memory_space<hbm>>
      tpu.wait_dma2 semaphore(%run_scoped3A_22 : memref<!tpu.dma_semaphore, #tpu.memory_space<semaphore_mem>>) src(%dma_wait3A_56 : memref<79x128xi32, #tpu.memory_space<hbm>>) dst(%arg5 : memref<79x128xi32, #tpu.memory_space<vmem>>)
      tpu.yield
    }) : () -> ()
    %run_scoped3A_3 = arith.constant 1 : i32
    "tpu.region"() ({
      %run_scoped3A_22 = tpu.sem_alloc : memref<!tpu.dma_semaphore, #tpu.memory_space<semaphore_mem>>
      %dma_start3A = arith.constant 0 : i32
      %dma_start3A_23 = arith.constant 0 : i32
      %dma_start3A_24 = arith.constant 0 : i32
      %dma_start3A_25 = tpu.memref_slice %arg3[%run_scoped3A_3, %dma_start3A, %dma_start3A_23, %dma_start3A_24] : memref<2x32x79x128xi32, #tpu.memory_space<hbm>> -> memref<1x32x79x128xi32, #tpu.memory_space<hbm>>
      %dma_start3A_26 = tpu.memref_squeeze %dma_start3A_25 : memref<1x32x79x128xi32, #tpu.memory_space<hbm>> -> memref<32x79x128xi32, #tpu.memory_space<hbm>>
      %dma_start3A_27 = arith.constant 0 : i32
      %dma_start3A_28 = arith.constant 0 : i32
      %dma_start3A_29 = tpu.memref_slice %dma_start3A_26[%add3A, %dma_start3A_27, %dma_start3A_28] : memref<32x79x128xi32, #tpu.memory_space<hbm>> -> memref<1x79x128xi32, #tpu.memory_space<hbm>>
      %dma_start3A_30 = tpu.memref_squeeze %dma_start3A_29 : memref<1x79x128xi32, #tpu.memory_space<hbm>> -> memref<79x128xi32, #tpu.memory_space<hbm>>
      %dma_start3A_31 = arith.constant 0 : i32
      %dma_start3A_32 = arith.constant 0 : i32
      %dma_start3A_33 = arith.constant 0 : i32
      %dma_start3A_34 = tpu.memref_slice %arg3[%run_scoped3A_3, %dma_start3A_31, %dma_start3A_32, %dma_start3A_33] : memref<2x32x79x128xi32, #tpu.memory_space<hbm>> -> memref<1x32x79x128xi32, #tpu.memory_space<hbm>>
      %dma_start3A_35 = tpu.memref_squeeze %dma_start3A_34 : memref<1x32x79x128xi32, #tpu.memory_space<hbm>> -> memref<32x79x128xi32, #tpu.memory_space<hbm>>
      %dma_start3A_36 = arith.constant 0 : i32
      %dma_start3A_37 = arith.constant 0 : i32
      %dma_start3A_38 = tpu.memref_slice %dma_start3A_35[%add3A, %dma_start3A_36, %dma_start3A_37] : memref<32x79x128xi32, #tpu.memory_space<hbm>> -> memref<1x79x128xi32, #tpu.memory_space<hbm>>
      %dma_start3A_39 = tpu.memref_squeeze %dma_start3A_38 : memref<1x79x128xi32, #tpu.memory_space<hbm>> -> memref<79x128xi32, #tpu.memory_space<hbm>>
      tpu.enqueue_dma source(%dma_start3A_39 : memref<79x128xi32, #tpu.memory_space<hbm>>) target(%arg6 : memref<79x128xi32, #tpu.memory_space<vmem>>) target_semaphore(%run_scoped3A_22 : memref<!tpu.dma_semaphore, #tpu.memory_space<semaphore_mem>>)
      %dma_wait3A = arith.constant 0 : i32
      %dma_wait3A_40 = arith.constant 0 : i32
      %dma_wait3A_41 = arith.constant 0 : i32
      %dma_wait3A_42 = tpu.memref_slice %arg3[%run_scoped3A_3, %dma_wait3A, %dma_wait3A_40, %dma_wait3A_41] : memref<2x32x79x128xi32, #tpu.memory_space<hbm>> -> memref<1x32x79x128xi32, #tpu.memory_space<hbm>>
      %dma_wait3A_43 = tpu.memref_squeeze %dma_wait3A_42 : memref<1x32x79x128xi32, #tpu.memory_space<hbm>> -> memref<32x79x128xi32, #tpu.memory_space<hbm>>
      %dma_wait3A_44 = arith.constant 0 : i32
      %dma_wait3A_45 = arith.constant 0 : i32
      %dma_wait3A_46 = tpu.memref_slice %dma_wait3A_43[%add3A, %dma_wait3A_44, %dma_wait3A_45] : memref<32x79x128xi32, #tpu.memory_space<hbm>> -> memref<1x79x128xi32, #tpu.memory_space<hbm>>
      %dma_wait3A_47 = tpu.memref_squeeze %dma_wait3A_46 : memref<1x79x128xi32, #tpu.memory_space<hbm>> -> memref<79x128xi32, #tpu.memory_space<hbm>>
      %dma_wait3A_48 = arith.constant 0 : i32
      %dma_wait3A_49 = arith.constant 0 : i32
      %dma_wait3A_50 = arith.constant 0 : i32
      %dma_wait3A_51 = tpu.memref_slice %arg3[%run_scoped3A_3, %dma_wait3A_48, %dma_wait3A_49, %dma_wait3A_50] : memref<2x32x79x128xi32, #tpu.memory_space<hbm>> -> memref<1x32x79x128xi32, #tpu.memory_space<hbm>>
      %dma_wait3A_52 = tpu.memref_squeeze %dma_wait3A_51 : memref<1x32x79x128xi32, #tpu.memory_space<hbm>> -> memref<32x79x128xi32, #tpu.memory_space<hbm>>
      %dma_wait3A_53 = arith.constant 0 : i32
      %dma_wait3A_54 = arith.constant 0 : i32
      %dma_wait3A_55 = tpu.memref_slice %dma_wait3A_52[%add3A, %dma_wait3A_53, %dma_wait3A_54] : memref<32x79x128xi32, #tpu.memory_space<hbm>> -> memref<1x79x128xi32, #tpu.memory_space<hbm>>
      %dma_wait3A_56 = tpu.memref_squeeze %dma_wait3A_55 : memref<1x79x128xi32, #tpu.memory_space<hbm>> -> memref<79x128xi32, #tpu.memory_space<hbm>>
      tpu.wait_dma2 semaphore(%run_scoped3A_22 : memref<!tpu.dma_semaphore, #tpu.memory_space<semaphore_mem>>) src(%dma_wait3A_56 : memref<79x128xi32, #tpu.memory_space<hbm>>) dst(%arg6 : memref<79x128xi32, #tpu.memory_space<vmem>>)
      tpu.yield
    }) : () -> ()
    %scan3A = arith.constant 0 : i32
    %scan3A_4 = arith.constant 128 : i32
    %scan3A_5 = arith.addi %scan3A, %scan3A_4 : i32
    %scan3A_6 = arith.constant 1 : i32
    scf.for %scan3A_22 = %scan3A to %scan3A_5 step %scan3A_6  : i32 {
      %mul3A_23 = arith.constant 1 : i32
      %mul3A_24 = arith.muli %scan3A_22, %mul3A_23 : i32
      %add3A_25 = arith.constant 0 : i32
      %add3A_26 = arith.addi %add3A_25, %mul3A_24 : i32
      %broadcast_in_dim3A = arith.constant 0.000000e+00 : f32
      %broadcast_in_dim3A_27 = vector.broadcast %broadcast_in_dim3A : f32 to vector<16xf32>
      %swap3A = arith.index_cast %add3A_26 : i32 to index
      %swap3A_28 = arith.constant 0 : index
      %swap3A_29 = tpu.vector_load %arg8[%swap3A, %swap3A_28] {strides = array<i32>} : memref<128x64xf32, #tpu.memory_space<vmem>>, vector<1x16xf32>,
      %swap3A_30 = vector.shape_cast %swap3A_29 : vector<1x16xf32> to vector<16xf32>
      %swap3A_31 = vector.shape_cast %broadcast_in_dim3A_27 : vector<16xf32> to vector<1x16xf32>
      tpu.vector_store %arg8[%swap3A, %swap3A_28], %swap3A_31 {strides = array<i32>} : memref<128x64xf32, #tpu.memory_space<vmem>>, vector<1x16xf32>,
      %broadcast_in_dim3A_32 = arith.constant 0.000000e+00 : f32
      %broadcast_in_dim3A_33 = vector.broadcast %broadcast_in_dim3A_32 : f32 to vector<16xf32>
      %swap3A_34 = arith.index_cast %add3A_26 : i32 to index
      %swap3A_35 = arith.constant 16 : index
      %swap3A_36 = tpu.vector_load %arg8[%swap3A_34, %swap3A_35] {strides = array<i32>} : memref<128x64xf32, #tpu.memory_space<vmem>>, vector<1x16xf32>,
      %swap3A_37 = vector.shape_cast %swap3A_36 : vector<1x16xf32> to vector<16xf32>
      %swap3A_38 = vector.shape_cast %broadcast_in_dim3A_33 : vector<16xf32> to vector<1x16xf32>
      tpu.vector_store %arg8[%swap3A_34, %swap3A_35], %swap3A_38 {strides = array<i32>} : memref<128x64xf32, #tpu.memory_space<vmem>>, vector<1x16xf32>,
      %broadcast_in_dim3A_39 = arith.constant 0.000000e+00 : f32
      %broadcast_in_dim3A_40 = vector.broadcast %broadcast_in_dim3A_39 : f32 to vector<16xf32>
      %swap3A_41 = arith.index_cast %add3A_26 : i32 to index
      %swap3A_42 = arith.constant 32 : index
      %swap3A_43 = tpu.vector_load %arg8[%swap3A_41, %swap3A_42] {strides = array<i32>} : memref<128x64xf32, #tpu.memory_space<vmem>>, vector<1x16xf32>,
      %swap3A_44 = vector.shape_cast %swap3A_43 : vector<1x16xf32> to vector<16xf32>
      %swap3A_45 = vector.shape_cast %broadcast_in_dim3A_40 : vector<16xf32> to vector<1x16xf32>
      tpu.vector_store %arg8[%swap3A_41, %swap3A_42], %swap3A_45 {strides = array<i32>} : memref<128x64xf32, #tpu.memory_space<vmem>>, vector<1x16xf32>,
      %broadcast_in_dim3A_46 = arith.constant 0.000000e+00 : f32
      %broadcast_in_dim3A_47 = vector.broadcast %broadcast_in_dim3A_46 : f32 to vector<16xf32>
      %swap3A_48 = arith.index_cast %add3A_26 : i32 to index
      %swap3A_49 = arith.constant 48 : index
      %swap3A_50 = tpu.vector_load %arg8[%swap3A_48, %swap3A_49] {strides = array<i32>} : memref<128x64xf32, #tpu.memory_space<vmem>>, vector<1x16xf32>,
      %swap3A_51 = vector.shape_cast %swap3A_50 : vector<1x16xf32> to vector<16xf32>
      %swap3A_52 = vector.shape_cast %broadcast_in_dim3A_47 : vector<16xf32> to vector<1x16xf32>
      tpu.vector_store %arg8[%swap3A_48, %swap3A_49], %swap3A_52 {strides = array<i32>} : memref<128x64xf32, #tpu.memory_space<vmem>>, vector<1x16xf32>,
    }
    %scan3A_7 = arith.constant 128 : i32
    %run_scoped3A_8 = arith.constant 0 : i32
    "tpu.region"() ({
      %run_scoped3A_22 = tpu.sem_alloc : memref<!tpu.dma_semaphore, #tpu.memory_space<semaphore_mem>>
      %dma_start3A = arith.constant 0 : i32
      %dma_start3A_23 = tpu.memref_slice %arg9[%mul3A_2, %dma_start3A] : memref<10240x64xf32, #tpu.memory_space<vmem_shared>> -> memref<640x64xf32, #tpu.memory_space<vmem_shared>>
      %dma_start3A_24 = arith.constant 0 : i32
      %dma_start3A_25 = arith.constant 0 : i32
      %dma_start3A_26 = tpu.memref_slice %arg2[%run_scoped3A_8, %dma_start3A_24, %dma_start3A_25] : memref<1x10240x64xf32, #tpu.memory_space<hbm>> -> memref<1x10240x64xf32, #tpu.memory_space<hbm>>
      %dma_start3A_27 = tpu.memref_squeeze %dma_start3A_26 : memref<1x10240x64xf32, #tpu.memory_space<hbm>> -> memref<10240x64xf32, #tpu.memory_space<hbm>>
      %dma_start3A_28 = arith.constant 0 : i32
      %dma_start3A_29 = tpu.memref_slice %dma_start3A_27[%mul3A_2, %dma_start3A_28] : memref<10240x64xf32, #tpu.memory_space<hbm>> -> memref<640x64xf32, #tpu.memory_space<hbm>>
      tpu.enqueue_dma source(%dma_start3A_29 : memref<640x64xf32, #tpu.memory_space<hbm>>) target(%dma_start3A_23 : memref<640x64xf32, #tpu.memory_space<vmem_shared>>) target_semaphore(%run_scoped3A_22 : memref<!tpu.dma_semaphore, #tpu.memory_space<semaphore_mem>>)
      %dma_wait3A = arith.constant 0 : i32
      %dma_wait3A_30 = tpu.memref_slice %arg9[%mul3A_2, %dma_wait3A] : memref<10240x64xf32, #tpu.memory_space<vmem_shared>> -> memref<640x64xf32, #tpu.memory_space<vmem_shared>>
      %dma_wait3A_31 = arith.constant 0 : i32
      %dma_wait3A_32 = arith.constant 0 : i32
      %dma_wait3A_33 = tpu.memref_slice %arg2[%run_scoped3A_8, %dma_wait3A_31, %dma_wait3A_32] : memref<1x10240x64xf32, #tpu.memory_space<hbm>> -> memref<1x10240x64xf32, #tpu.memory_space<hbm>>
      %dma_wait3A_34 = tpu.memref_squeeze %dma_wait3A_33 : memref<1x10240x64xf32, #tpu.memory_space<hbm>> -> memref<10240x64xf32, #tpu.memory_space<hbm>>
      %dma_wait3A_35 = arith.constant 0 : i32
      %dma_wait3A_36 = tpu.memref_slice %dma_wait3A_34[%mul3A_2, %dma_wait3A_35] : memref<10240x64xf32, #tpu.memory_space<hbm>> -> memref<640x64xf32, #tpu.memory_space<hbm>>
      tpu.wait_dma2 semaphore(%run_scoped3A_22 : memref<!tpu.dma_semaphore, #tpu.memory_space<semaphore_mem>>) src(%dma_wait3A_36 : memref<640x64xf32, #tpu.memory_space<hbm>>) dst(%dma_wait3A_30 : memref<640x64xf32, #tpu.memory_space<vmem_shared>>)
      tpu.yield
    }) : () -> ()
    %scan3A_9 = arith.constant 0 : i32
    %scan3A_10 = arith.constant 5 : i32
    %scan3A_11 = arith.addi %scan3A_9, %scan3A_10 : i32
    %scan3A_12 = arith.constant 1 : i32
    scf.for %scan3A_22 = %scan3A_9 to %scan3A_11 step %scan3A_12  : i32 {
      %mul3A_23 = arith.constant 128 : i32
      %mul3A_24 = arith.muli %scan3A_22, %mul3A_23 : i32
      %add3A_25 = arith.constant 0 : i32
      %add3A_26 = arith.addi %add3A_25, %mul3A_24 : i32
      %mul3A_27 = arith.constant 640 : i32
      %mul3A_28 = arith.muli %arg1, %mul3A_27 : i32
      %add3A_29 = arith.addi %mul3A_28, %add3A_26 : i32
      "tpu.region"() ({
        %run_scoped3A_30 = tpu.sem_alloc : memref<!tpu.dma_semaphore, #tpu.memory_space<semaphore_mem>>
        %dma_start3A = arith.constant 0 : i32
        %dma_start3A_31 = tpu.memref_slice %arg10[%add3A_29, %dma_start3A] : memref<10240x64xf32, #tpu.memory_space<vmem_shared>> -> memref<128x64xf32, #tpu.memory_space<vmem_shared>>
        %dma_start3A_32 = arith.constant 0 : i32
        %dma_start3A_33 = tpu.memref_slice %arg10[%add3A_29, %dma_start3A_32] : memref<10240x64xf32, #tpu.memory_space<vmem_shared>> -> memref<128x64xf32, #tpu.memory_space<vmem_shared>>
        tpu.enqueue_dma source(%arg8 : memref<128x64xf32, #tpu.memory_space<vmem>>) target(%dma_start3A_33 : memref<128x64xf32, #tpu.memory_space<vmem_shared>>) target_semaphore(%run_scoped3A_30 : memref<!tpu.dma_semaphore, #tpu.memory_space<semaphore_mem>>)
        %dma_wait3A = arith.constant 0 : i32
        %dma_wait3A_34 = tpu.memref_slice %arg10[%add3A_29, %dma_wait3A] : memref<10240x64xf32, #tpu.memory_space<vmem_shared>> -> memref<128x64xf32, #tpu.memory_space<vmem_shared>>
        %dma_wait3A_35 = arith.constant 0 : i32
        %dma_wait3A_36 = tpu.memref_slice %arg10[%add3A_29, %dma_wait3A_35] : memref<10240x64xf32, #tpu.memory_space<vmem_shared>> -> memref<128x64xf32, #tpu.memory_space<vmem_shared>>
        tpu.wait_dma2 semaphore(%run_scoped3A_30 : memref<!tpu.dma_semaphore, #tpu.memory_space<semaphore_mem>>) src(%arg8 : memref<128x64xf32, #tpu.memory_space<vmem>>) dst(%dma_wait3A_36 : memref<128x64xf32, #tpu.memory_space<vmem_shared>>)
        tpu.yield
      }) : () -> ()
    }
    %scan3A_13 = arith.constant 5 : i32
    %barrier3A = arith.constant 0 : index
    tpu.barrier barrier_id(%barrier3A)
    %scan3A_14 = arith.constant 0 : i32
    %scan3A_15 = arith.constant 79 : i32
    %scan3A_16 = arith.addi %scan3A_14, %scan3A_15 : i32
    %scan3A_17 = arith.constant 1 : i32
    scf.for %scan3A_22 = %scan3A_14 to %scan3A_16 step %scan3A_17  : i32 {
      %mul3A_23 = arith.constant 1 : i32
      %mul3A_24 = arith.muli %scan3A_22, %mul3A_23 : i32
      %add3A_25 = arith.constant 0 : i32
      %add3A_26 = arith.addi %add3A_25, %mul3A_24 : i32
      %dma_start3A = arith.constant 0 : i32
      %dma_start3A_27 = tpu.memref_slice %arg5[%add3A_26, %dma_start3A] : memref<79x128xi32, #tpu.memory_space<vmem>> -> memref<1x128xi32, #tpu.memory_space<vmem>>
      %dma_start3A_28 = tpu.memref_squeeze %dma_start3A_27 : memref<1x128xi32, #tpu.memory_space<vmem>> -> memref<128xi32, #tpu.memory_space<vmem>>
      %dma_start3A_29 = arith.constant 0 : i32
      %dma_start3A_30 = arith.constant 0 : i32
      %dma_start3A_31 = tpu.memref_slice %arg9[%dma_start3A_29, %dma_start3A_30] : memref<10240x64xf32, #tpu.memory_space<vmem_shared>> -> memref<10240x64xf32, #tpu.memory_space<vmem_shared>>
      tpu.enqueue_indirect_dma source(%dma_start3A_31 : memref<10240x64xf32, #tpu.memory_space<vmem_shared>>) target(%arg7 : memref<128x64xf32, #tpu.memory_space<vmem>>) offsets(%dma_start3A_28 : memref<128xi32, #tpu.memory_space<vmem>>) semaphore(%arg11 : memref<!tpu.dma_semaphore, #tpu.memory_space<semaphore_mem>>)
      %dma_wait3A = arith.constant 0 : i32
      %dma_wait3A_32 = tpu.memref_slice %arg5[%add3A_26, %dma_wait3A] : memref<79x128xi32, #tpu.memory_space<vmem>> -> memref<1x128xi32, #tpu.memory_space<vmem>>
      %dma_wait3A_33 = tpu.memref_squeeze %dma_wait3A_32 : memref<1x128xi32, #tpu.memory_space<vmem>> -> memref<128xi32, #tpu.memory_space<vmem>>
      %dma_wait3A_34 = arith.constant 0 : i32
      %dma_wait3A_35 = arith.constant 0 : i32
      %dma_wait3A_36 = tpu.memref_slice %arg9[%dma_wait3A_34, %dma_wait3A_35] : memref<10240x64xf32, #tpu.memory_space<vmem_shared>> -> memref<10240x64xf32, #tpu.memory_space<vmem_shared>>
      tpu.wait_indirect_dma semaphore(%arg11 : memref<!tpu.dma_semaphore, #tpu.memory_space<semaphore_mem>>) src(%dma_wait3A_36 : memref<10240x64xf32, #tpu.memory_space<vmem_shared>>) dst(%arg7 : memref<128x64xf32, #tpu.memory_space<vmem>>)
      "tpu.region"() ({
        %run_scoped3A_37 = tpu.sem_alloc : memref<!tpu.dma_semaphore, #tpu.memory_space<semaphore_mem>>
        %dma_start3A_38 = arith.constant 0 : i32
        %dma_start3A_39 = tpu.memref_slice %arg6[%add3A_26, %dma_start3A_38] : memref<79x128xi32, #tpu.memory_space<vmem>> -> memref<1x128xi32, #tpu.memory_space<vmem>>
        %dma_start3A_40 = tpu.memref_squeeze %dma_start3A_39 : memref<1x128xi32, #tpu.memory_space<vmem>> -> memref<128xi32, #tpu.memory_space<vmem>>
        %dma_start3A_41 = arith.constant 0 : i32
        %dma_start3A_42 = arith.constant 0 : i32
        %dma_start3A_43 = tpu.memref_slice %arg10[%dma_start3A_41, %dma_start3A_42] : memref<10240x64xf32, #tpu.memory_space<vmem_shared>> -> memref<10240x64xf32, #tpu.memory_space<vmem_shared>>
        tpu.enqueue_indirect_dma source(%arg7 : memref<128x64xf32, #tpu.memory_space<vmem>>) target(%dma_start3A_43 : memref<10240x64xf32, #tpu.memory_space<vmem_shared>>) offsets(%dma_start3A_40 : memref<128xi32, #tpu.memory_space<vmem>>) semaphore(%run_scoped3A_37 : memref<!tpu.dma_semaphore, #tpu.memory_space<semaphore_mem>>) {add = true}
        %dma_wait3A_44 = arith.constant 0 : i32
        %dma_wait3A_45 = tpu.memref_slice %arg6[%add3A_26, %dma_wait3A_44] : memref<79x128xi32, #tpu.memory_space<vmem>> -> memref<1x128xi32, #tpu.memory_space<vmem>>
        %dma_wait3A_46 = tpu.memref_squeeze %dma_wait3A_45 : memref<1x128xi32, #tpu.memory_space<vmem>> -> memref<128xi32, #tpu.memory_space<vmem>>
        %dma_wait3A_47 = arith.constant 0 : i32
        %dma_wait3A_48 = arith.constant 0 : i32
        %dma_wait3A_49 = tpu.memref_slice %arg10[%dma_wait3A_47, %dma_wait3A_48] : memref<10240x64xf32, #tpu.memory_space<vmem_shared>> -> memref<10240x64xf32, #tpu.memory_space<vmem_shared>>
        tpu.wait_indirect_dma semaphore(%run_scoped3A_37 : memref<!tpu.dma_semaphore, #tpu.memory_space<semaphore_mem>>) src(%arg7 : memref<128x64xf32, #tpu.memory_space<vmem>>) dst(%dma_wait3A_49 : memref<10240x64xf32, #tpu.memory_space<vmem_shared>>)
        tpu.yield
      }) : () -> ()
    }
    %scan3A_18 = arith.constant 79 : i32
    %barrier3A_19 = arith.constant 0 : index
    tpu.barrier barrier_id(%barrier3A_19)
    %run_scoped3A_20 = arith.constant 0 : i32
    "tpu.region"() ({
      %run_scoped3A_22 = tpu.sem_alloc : memref<!tpu.dma_semaphore, #tpu.memory_space<semaphore_mem>>
      %dma_start3A = arith.constant 0 : i32
      %dma_start3A_23 = arith.constant 0 : i32
      %dma_start3A_24 = arith.constant 0 : i32
      %dma_start3A_25 = tpu.memref_slice %arg4[%arg0, %dma_start3A, %dma_start3A_23, %dma_start3A_24] : memref<2x1x10240x64xf32, #tpu.memory_space<hbm>> -> memref<1x1x10240x64xf32, #tpu.memory_space<hbm>>
      %dma_start3A_26 = tpu.memref_squeeze %dma_start3A_25 : memref<1x1x10240x64xf32, #tpu.memory_space<hbm>> -> memref<1x10240x64xf32, #tpu.memory_space<hbm>>
      %dma_start3A_27 = arith.constant 0 : i32
      %dma_start3A_28 = arith.constant 0 : i32
      %dma_start3A_29 = tpu.memref_slice %dma_start3A_26[%run_scoped3A_20, %dma_start3A_27, %dma_start3A_28] : memref<1x10240x64xf32, #tpu.memory_space<hbm>> -> memref<1x10240x64xf32, #tpu.memory_space<hbm>>
      %dma_start3A_30 = tpu.memref_squeeze %dma_start3A_29 : memref<1x10240x64xf32, #tpu.memory_space<hbm>> -> memref<10240x64xf32, #tpu.memory_space<hbm>>
      %dma_start3A_31 = arith.constant 0 : i32
      %dma_start3A_32 = tpu.memref_slice %dma_start3A_30[%mul3A_2, %dma_start3A_31] : memref<10240x64xf32, #tpu.memory_space<hbm>> -> memref<640x64xf32, #tpu.memory_space<hbm>>
      %dma_start3A_33 = arith.constant 0 : i32
      %dma_start3A_34 = tpu.memref_slice %arg10[%mul3A_2, %dma_start3A_33] : memref<10240x64xf32, #tpu.memory_space<vmem_shared>> -> memref<640x64xf32, #tpu.memory_space<vmem_shared>>
      tpu.enqueue_dma source(%dma_start3A_34 : memref<640x64xf32, #tpu.memory_space<vmem_shared>>) target(%dma_start3A_32 : memref<640x64xf32, #tpu.memory_space<hbm>>) target_semaphore(%run_scoped3A_22 : memref<!tpu.dma_semaphore, #tpu.memory_space<semaphore_mem>>)
      %dma_wait3A = arith.constant 0 : i32
      %dma_wait3A_35 = arith.constant 0 : i32
      %dma_wait3A_36 = arith.constant 0 : i32
      %dma_wait3A_37 = tpu.memref_slice %arg4[%arg0, %dma_wait3A, %dma_wait3A_35, %dma_wait3A_36] : memref<2x1x10240x64xf32, #tpu.memory_space<hbm>> -> memref<1x1x10240x64xf32, #tpu.memory_space<hbm>>
      %dma_wait3A_38 = tpu.memref_squeeze %dma_wait3A_37 : memref<1x1x10240x64xf32, #tpu.memory_space<hbm>> -> memref<1x10240x64xf32, #tpu.memory_space<hbm>>
      %dma_wait3A_39 = arith.constant 0 : i32
      %dma_wait3A_40 = arith.constant 0 : i32
      %dma_wait3A_41 = tpu.memref_slice %dma_wait3A_38[%run_scoped3A_20, %dma_wait3A_39, %dma_wait3A_40] : memref<1x10240x64xf32, #tpu.memory_space<hbm>> -> memref<1x10240x64xf32, #tpu.memory_space<hbm>>
      %dma_wait3A_42 = tpu.memref_squeeze %dma_wait3A_41 : memref<1x10240x64xf32, #tpu.memory_space<hbm>> -> memref<10240x64xf32, #tpu.memory_space<hbm>>
      %dma_wait3A_43 = arith.constant 0 : i32
      %dma_wait3A_44 = tpu.memref_slice %dma_wait3A_42[%mul3A_2, %dma_wait3A_43] : memref<10240x64xf32, #tpu.memory_space<hbm>> -> memref<640x64xf32, #tpu.memory_space<hbm>>
      %dma_wait3A_45 = arith.constant 0 : i32
      %dma_wait3A_46 = tpu.memref_slice %arg10[%mul3A_2, %dma_wait3A_45] : memref<10240x64xf32, #tpu.memory_space<vmem_shared>> -> memref<640x64xf32, #tpu.memory_space<vmem_shared>>
      tpu.wait_dma2 semaphore(%run_scoped3A_22 : memref<!tpu.dma_semaphore, #tpu.memory_space<semaphore_mem>>) src(%dma_wait3A_46 : memref<640x64xf32, #tpu.memory_space<vmem_shared>>) dst(%dma_wait3A_44 : memref<640x64xf32, #tpu.memory_space<hbm>>)
      tpu.yield
    }) : () -> ()
    %barrier3A_21 = arith.constant 0 : index
    tpu.barrier barrier_id(%barrier3A_21)
    return
  }
}

#map = affine_map<(d0, d1) -> (0, 0, 0, 0)>
#map1 = affine_map<(d0, d1) -> (0, 0, 0)>
module attributes {stable_mosaic.version = 14 : i64} {
  func.func @k(%arg0: i32, %arg1: i32, %arg2: memref<2x32x79x128xi32, #tpu.memory_space<hbm>>, %arg3: memref<2x10240x16xf32, #tpu.memory_space<hbm>>, %arg4: memref<79x128xi32, #tpu.memory_space<vmem>>, %arg5: memref<128x16xf32, #tpu.memory_space<vmem>>, %arg6: memref<10240x16xf32, #tpu.memory_space<vmem_shared>>) attributes {dimension_semantics = [#tpu.dimension_semantics<core_parallel>, #tpu.dimension_semantics<subcore_parallel>], iteration_bounds = array<i64: 2, 16>, scalar_prefetch = 0 : i64, scratch_operands = 3 : i64, tpu.core_type = #tpu.core_type<sc_vector_subcore>, window_params = [{transform_indices = #map}, {transform_indices = #map1}]} {
    %mul3A = arith.constant 2 : i32
    %mul3A_0 = arith.muli %arg1, %mul3A : i32
    %add3A = arith.addi %mul3A_0, %arg0 : i32
    %run_scoped3A = arith.constant 1 : i32
    "tpu.region"() ({
      %run_scoped3A_23 = tpu.sem_alloc : memref<!tpu.dma_semaphore, #tpu.memory_space<semaphore_mem>>
      %dma_start3A = arith.constant 0 : i32
      %dma_start3A_24 = arith.constant 0 : i32
      %dma_start3A_25 = arith.constant 0 : i32
      %dma_start3A_26 = tpu.memref_slice %arg2[%run_scoped3A, %dma_start3A, %dma_start3A_24, %dma_start3A_25] : memref<2x32x79x128xi32, #tpu.memory_space<hbm>> -> memref<1x32x79x128xi32, #tpu.memory_space<hbm>>
      %dma_start3A_27 = tpu.memref_squeeze %dma_start3A_26 : memref<1x32x79x128xi32, #tpu.memory_space<hbm>> -> memref<32x79x128xi32, #tpu.memory_space<hbm>>
      %dma_start3A_28 = arith.constant 0 : i32
      %dma_start3A_29 = arith.constant 0 : i32
      %dma_start3A_30 = tpu.memref_slice %dma_start3A_27[%add3A, %dma_start3A_28, %dma_start3A_29] : memref<32x79x128xi32, #tpu.memory_space<hbm>> -> memref<1x79x128xi32, #tpu.memory_space<hbm>>
      %dma_start3A_31 = tpu.memref_squeeze %dma_start3A_30 : memref<1x79x128xi32, #tpu.memory_space<hbm>> -> memref<79x128xi32, #tpu.memory_space<hbm>>
      %dma_start3A_32 = arith.constant 0 : i32
      %dma_start3A_33 = arith.constant 0 : i32
      %dma_start3A_34 = arith.constant 0 : i32
      %dma_start3A_35 = tpu.memref_slice %arg2[%run_scoped3A, %dma_start3A_32, %dma_start3A_33, %dma_start3A_34] : memref<2x32x79x128xi32, #tpu.memory_space<hbm>> -> memref<1x32x79x128xi32, #tpu.memory_space<hbm>>
      %dma_start3A_36 = tpu.memref_squeeze %dma_start3A_35 : memref<1x32x79x128xi32, #tpu.memory_space<hbm>> -> memref<32x79x128xi32, #tpu.memory_space<hbm>>
      %dma_start3A_37 = arith.constant 0 : i32
      %dma_start3A_38 = arith.constant 0 : i32
      %dma_start3A_39 = tpu.memref_slice %dma_start3A_36[%add3A, %dma_start3A_37, %dma_start3A_38] : memref<32x79x128xi32, #tpu.memory_space<hbm>> -> memref<1x79x128xi32, #tpu.memory_space<hbm>>
      %dma_start3A_40 = tpu.memref_squeeze %dma_start3A_39 : memref<1x79x128xi32, #tpu.memory_space<hbm>> -> memref<79x128xi32, #tpu.memory_space<hbm>>
      tpu.enqueue_dma source(%dma_start3A_40 : memref<79x128xi32, #tpu.memory_space<hbm>>) target(%arg4 : memref<79x128xi32, #tpu.memory_space<vmem>>) target_semaphore(%run_scoped3A_23 : memref<!tpu.dma_semaphore, #tpu.memory_space<semaphore_mem>>)
      %dma_wait3A = arith.constant 0 : i32
      %dma_wait3A_41 = arith.constant 0 : i32
      %dma_wait3A_42 = arith.constant 0 : i32
      %dma_wait3A_43 = tpu.memref_slice %arg2[%run_scoped3A, %dma_wait3A, %dma_wait3A_41, %dma_wait3A_42] : memref<2x32x79x128xi32, #tpu.memory_space<hbm>> -> memref<1x32x79x128xi32, #tpu.memory_space<hbm>>
      %dma_wait3A_44 = tpu.memref_squeeze %dma_wait3A_43 : memref<1x32x79x128xi32, #tpu.memory_space<hbm>> -> memref<32x79x128xi32, #tpu.memory_space<hbm>>
      %dma_wait3A_45 = arith.constant 0 : i32
      %dma_wait3A_46 = arith.constant 0 : i32
      %dma_wait3A_47 = tpu.memref_slice %dma_wait3A_44[%add3A, %dma_wait3A_45, %dma_wait3A_46] : memref<32x79x128xi32, #tpu.memory_space<hbm>> -> memref<1x79x128xi32, #tpu.memory_space<hbm>>
      %dma_wait3A_48 = tpu.memref_squeeze %dma_wait3A_47 : memref<1x79x128xi32, #tpu.memory_space<hbm>> -> memref<79x128xi32, #tpu.memory_space<hbm>>
      %dma_wait3A_49 = arith.constant 0 : i32
      %dma_wait3A_50 = arith.constant 0 : i32
      %dma_wait3A_51 = arith.constant 0 : i32
      %dma_wait3A_52 = tpu.memref_slice %arg2[%run_scoped3A, %dma_wait3A_49, %dma_wait3A_50, %dma_wait3A_51] : memref<2x32x79x128xi32, #tpu.memory_space<hbm>> -> memref<1x32x79x128xi32, #tpu.memory_space<hbm>>
      %dma_wait3A_53 = tpu.memref_squeeze %dma_wait3A_52 : memref<1x32x79x128xi32, #tpu.memory_space<hbm>> -> memref<32x79x128xi32, #tpu.memory_space<hbm>>
      %dma_wait3A_54 = arith.constant 0 : i32
      %dma_wait3A_55 = arith.constant 0 : i32
      %dma_wait3A_56 = tpu.memref_slice %dma_wait3A_53[%add3A, %dma_wait3A_54, %dma_wait3A_55] : memref<32x79x128xi32, #tpu.memory_space<hbm>> -> memref<1x79x128xi32, #tpu.memory_space<hbm>>
      %dma_wait3A_57 = tpu.memref_squeeze %dma_wait3A_56 : memref<1x79x128xi32, #tpu.memory_space<hbm>> -> memref<79x128xi32, #tpu.memory_space<hbm>>
      tpu.wait_dma2 semaphore(%run_scoped3A_23 : memref<!tpu.dma_semaphore, #tpu.memory_space<semaphore_mem>>) src(%dma_wait3A_57 : memref<79x128xi32, #tpu.memory_space<hbm>>) dst(%arg4 : memref<79x128xi32, #tpu.memory_space<vmem>>)
      tpu.yield
    }) : () -> ()
    %scan3A = arith.constant 0 : i32
    %scan3A_1 = arith.constant 128 : i32
    %scan3A_2 = arith.addi %scan3A, %scan3A_1 : i32
    %scan3A_3 = arith.constant 1 : i32
    scf.for %scan3A_23 = %scan3A to %scan3A_2 step %scan3A_3  : i32 {
      %mul3A_24 = arith.constant 1 : i32
      %mul3A_25 = arith.muli %scan3A_23, %mul3A_24 : i32
      %add3A_26 = arith.constant 0 : i32
      %add3A_27 = arith.addi %add3A_26, %mul3A_25 : i32
      %broadcast_in_dim3A = arith.constant 0.000000e+00 : f32
      %broadcast_in_dim3A_28 = vector.broadcast %broadcast_in_dim3A : f32 to vector<16xf32>
      %swap3A = arith.index_cast %add3A_27 : i32 to index
      %swap3A_29 = arith.constant 0 : index
      %swap3A_30 = tpu.vector_load %arg5[%swap3A, %swap3A_29] {strides = array<i32>} : memref<128x16xf32, #tpu.memory_space<vmem>>, vector<1x16xf32>,
      %swap3A_31 = vector.shape_cast %swap3A_30 : vector<1x16xf32> to vector<16xf32>
      %swap3A_32 = vector.shape_cast %broadcast_in_dim3A_28 : vector<16xf32> to vector<1x16xf32>
      tpu.vector_store %arg5[%swap3A, %swap3A_29], %swap3A_32 {strides = array<i32>} : memref<128x16xf32, #tpu.memory_space<vmem>>, vector<1x16xf32>,
    }
    %scan3A_4 = arith.constant 128 : i32
    %scan3A_5 = arith.constant 0 : i32
    %scan3A_6 = arith.constant 5 : i32
    %scan3A_7 = arith.addi %scan3A_5, %scan3A_6 : i32
    %scan3A_8 = arith.constant 1 : i32
    scf.for %scan3A_23 = %scan3A_5 to %scan3A_7 step %scan3A_8  : i32 {
      %mul3A_24 = arith.constant 128 : i32
      %mul3A_25 = arith.muli %scan3A_23, %mul3A_24 : i32
      %add3A_26 = arith.constant 0 : i32
      %add3A_27 = arith.addi %add3A_26, %mul3A_25 : i32
      %mul3A_28 = arith.constant 640 : i32
      %mul3A_29 = arith.muli %arg1, %mul3A_28 : i32
      %add3A_30 = arith.addi %mul3A_29, %add3A_27 : i32
      "tpu.region"() ({
        %run_scoped3A_31 = tpu.sem_alloc : memref<!tpu.dma_semaphore, #tpu.memory_space<semaphore_mem>>
        %dma_start3A = arith.constant 0 : i32
        %dma_start3A_32 = arith.constant 0 : i32
        %dma_start3A_33 = tpu.memref_slice %arg5[%dma_start3A, %dma_start3A_32] : memref<128x16xf32, #tpu.memory_space<vmem>> -> memref<128x16xf32, #tpu.memory_space<vmem>>
        %dma_start3A_34 = arith.constant 0 : i32
        %dma_start3A_35 = tpu.memref_slice %arg6[%add3A_30, %dma_start3A_34] : memref<10240x16xf32, #tpu.memory_space<vmem_shared>> -> memref<128x16xf32, #tpu.memory_space<vmem_shared>>
        %dma_start3A_36 = arith.constant 0 : i32
        %dma_start3A_37 = tpu.memref_slice %arg6[%add3A_30, %dma_start3A_36] : memref<10240x16xf32, #tpu.memory_space<vmem_shared>> -> memref<128x16xf32, #tpu.memory_space<vmem_shared>>
        %dma_start3A_38 = arith.constant 0 : i32
        %dma_start3A_39 = arith.constant 0 : i32
        %dma_start3A_40 = tpu.memref_slice %arg5[%dma_start3A_38, %dma_start3A_39] : memref<128x16xf32, #tpu.memory_space<vmem>> -> memref<128x16xf32, #tpu.memory_space<vmem>>
        tpu.enqueue_dma source(%dma_start3A_40 : memref<128x16xf32, #tpu.memory_space<vmem>>) target(%dma_start3A_37 : memref<128x16xf32, #tpu.memory_space<vmem_shared>>) target_semaphore(%run_scoped3A_31 : memref<!tpu.dma_semaphore, #tpu.memory_space<semaphore_mem>>)
        %dma_wait3A = arith.constant 0 : i32
        %dma_wait3A_41 = arith.constant 0 : i32
        %dma_wait3A_42 = tpu.memref_slice %arg5[%dma_wait3A, %dma_wait3A_41] : memref<128x16xf32, #tpu.memory_space<vmem>> -> memref<128x16xf32, #tpu.memory_space<vmem>>
        %dma_wait3A_43 = arith.constant 0 : i32
        %dma_wait3A_44 = tpu.memref_slice %arg6[%add3A_30, %dma_wait3A_43] : memref<10240x16xf32, #tpu.memory_space<vmem_shared>> -> memref<128x16xf32, #tpu.memory_space<vmem_shared>>
        %dma_wait3A_45 = arith.constant 0 : i32
        %dma_wait3A_46 = tpu.memref_slice %arg6[%add3A_30, %dma_wait3A_45] : memref<10240x16xf32, #tpu.memory_space<vmem_shared>> -> memref<128x16xf32, #tpu.memory_space<vmem_shared>>
        %dma_wait3A_47 = arith.constant 0 : i32
        %dma_wait3A_48 = arith.constant 0 : i32
        %dma_wait3A_49 = tpu.memref_slice %arg5[%dma_wait3A_47, %dma_wait3A_48] : memref<128x16xf32, #tpu.memory_space<vmem>> -> memref<128x16xf32, #tpu.memory_space<vmem>>
        tpu.wait_dma2 semaphore(%run_scoped3A_31 : memref<!tpu.dma_semaphore, #tpu.memory_space<semaphore_mem>>) src(%dma_wait3A_49 : memref<128x16xf32, #tpu.memory_space<vmem>>) dst(%dma_wait3A_46 : memref<128x16xf32, #tpu.memory_space<vmem_shared>>)
        tpu.yield
      }) : () -> ()
    }
    %scan3A_9 = arith.constant 5 : i32
    %scan3A_10 = arith.constant 0 : i32
    %scan3A_11 = arith.constant 128 : i32
    %scan3A_12 = arith.addi %scan3A_10, %scan3A_11 : i32
    %scan3A_13 = arith.constant 1 : i32
    scf.for %scan3A_23 = %scan3A_10 to %scan3A_12 step %scan3A_13  : i32 {
      %mul3A_24 = arith.constant 1 : i32
      %mul3A_25 = arith.muli %scan3A_23, %mul3A_24 : i32
      %add3A_26 = arith.constant 0 : i32
      %add3A_27 = arith.addi %add3A_26, %mul3A_25 : i32
      %broadcast_in_dim3A = arith.constant 1.000000e+00 : f32
      %broadcast_in_dim3A_28 = vector.broadcast %broadcast_in_dim3A : f32 to vector<16xf32>
      %swap3A = arith.index_cast %add3A_27 : i32 to index
      %swap3A_29 = arith.constant 0 : index
      %swap3A_30 = tpu.vector_load %arg5[%swap3A, %swap3A_29] {strides = array<i32>} : memref<128x16xf32, #tpu.memory_space<vmem>>, vector<1x16xf32>,
      %swap3A_31 = vector.shape_cast %swap3A_30 : vector<1x16xf32> to vector<16xf32>
      %swap3A_32 = vector.shape_cast %broadcast_in_dim3A_28 : vector<16xf32> to vector<1x16xf32>
      tpu.vector_store %arg5[%swap3A, %swap3A_29], %swap3A_32 {strides = array<i32>} : memref<128x16xf32, #tpu.memory_space<vmem>>, vector<1x16xf32>,
    }
    %scan3A_14 = arith.constant 128 : i32
    %barrier3A = arith.constant 0 : index
    tpu.barrier barrier_id(%barrier3A)
    %scan3A_15 = arith.constant 0 : i32
    %scan3A_16 = arith.constant 79 : i32
    %scan3A_17 = arith.addi %scan3A_15, %scan3A_16 : i32
    %scan3A_18 = arith.constant 1 : i32
    scf.for %scan3A_23 = %scan3A_15 to %scan3A_17 step %scan3A_18  : i32 {
      %mul3A_24 = arith.constant 1 : i32
      %mul3A_25 = arith.muli %scan3A_23, %mul3A_24 : i32
      %add3A_26 = arith.constant 0 : i32
      %add3A_27 = arith.addi %add3A_26, %mul3A_25 : i32
      "tpu.region"() ({
        %run_scoped3A_28 = tpu.sem_alloc : memref<!tpu.dma_semaphore, #tpu.memory_space<semaphore_mem>>
        %dma_start3A = arith.constant 0 : i32
        %dma_start3A_29 = tpu.memref_slice %arg4[%add3A_27, %dma_start3A] : memref<79x128xi32, #tpu.memory_space<vmem>> -> memref<1x128xi32, #tpu.memory_space<vmem>>
        %dma_start3A_30 = tpu.memref_squeeze %dma_start3A_29 : memref<1x128xi32, #tpu.memory_space<vmem>> -> memref<128xi32, #tpu.memory_space<vmem>>
        %dma_start3A_31 = arith.constant 0 : i32
        %dma_start3A_32 = arith.constant 0 : i32
        %dma_start3A_33 = tpu.memref_slice %arg6[%dma_start3A_31, %dma_start3A_32] : memref<10240x16xf32, #tpu.memory_space<vmem_shared>> -> memref<10240x16xf32, #tpu.memory_space<vmem_shared>>
        tpu.enqueue_indirect_dma source(%arg5 : memref<128x16xf32, #tpu.memory_space<vmem>>) target(%dma_start3A_33 : memref<10240x16xf32, #tpu.memory_space<vmem_shared>>) offsets(%dma_start3A_30 : memref<128xi32, #tpu.memory_space<vmem>>) semaphore(%run_scoped3A_28 : memref<!tpu.dma_semaphore, #tpu.memory_space<semaphore_mem>>) {add = true}
        %dma_wait3A = arith.constant 0 : i32
        %dma_wait3A_34 = tpu.memref_slice %arg4[%add3A_27, %dma_wait3A] : memref<79x128xi32, #tpu.memory_space<vmem>> -> memref<1x128xi32, #tpu.memory_space<vmem>>
        %dma_wait3A_35 = tpu.memref_squeeze %dma_wait3A_34 : memref<1x128xi32, #tpu.memory_space<vmem>> -> memref<128xi32, #tpu.memory_space<vmem>>
        %dma_wait3A_36 = arith.constant 0 : i32
        %dma_wait3A_37 = arith.constant 0 : i32
        %dma_wait3A_38 = tpu.memref_slice %arg6[%dma_wait3A_36, %dma_wait3A_37] : memref<10240x16xf32, #tpu.memory_space<vmem_shared>> -> memref<10240x16xf32, #tpu.memory_space<vmem_shared>>
        tpu.wait_indirect_dma semaphore(%run_scoped3A_28 : memref<!tpu.dma_semaphore, #tpu.memory_space<semaphore_mem>>) src(%arg5 : memref<128x16xf32, #tpu.memory_space<vmem>>) dst(%dma_wait3A_38 : memref<10240x16xf32, #tpu.memory_space<vmem_shared>>)
        tpu.yield
      }) : () -> ()
    }
    %scan3A_19 = arith.constant 79 : i32
    %barrier3A_20 = arith.constant 0 : index
    tpu.barrier barrier_id(%barrier3A_20)
    %mul3A_21 = arith.constant 640 : i32
    %mul3A_22 = arith.muli %arg1, %mul3A_21 : i32
    "tpu.region"() ({
      %run_scoped3A_23 = tpu.sem_alloc : memref<!tpu.dma_semaphore, #tpu.memory_space<semaphore_mem>>
      %dma_start3A = arith.constant 0 : i32
      %dma_start3A_24 = arith.constant 0 : i32
      %dma_start3A_25 = tpu.memref_slice %arg3[%arg0, %dma_start3A, %dma_start3A_24] : memref<2x10240x16xf32, #tpu.memory_space<hbm>> -> memref<1x10240x16xf32, #tpu.memory_space<hbm>>
      %dma_start3A_26 = tpu.memref_squeeze %dma_start3A_25 : memref<1x10240x16xf32, #tpu.memory_space<hbm>> -> memref<10240x16xf32, #tpu.memory_space<hbm>>
      %dma_start3A_27 = arith.constant 0 : i32
      %dma_start3A_28 = tpu.memref_slice %dma_start3A_26[%mul3A_22, %dma_start3A_27] : memref<10240x16xf32, #tpu.memory_space<hbm>> -> memref<640x16xf32, #tpu.memory_space<hbm>>
      %dma_start3A_29 = arith.constant 0 : i32
      %dma_start3A_30 = tpu.memref_slice %arg6[%mul3A_22, %dma_start3A_29] : memref<10240x16xf32, #tpu.memory_space<vmem_shared>> -> memref<640x16xf32, #tpu.memory_space<vmem_shared>>
      tpu.enqueue_dma source(%dma_start3A_30 : memref<640x16xf32, #tpu.memory_space<vmem_shared>>) target(%dma_start3A_28 : memref<640x16xf32, #tpu.memory_space<hbm>>) target_semaphore(%run_scoped3A_23 : memref<!tpu.dma_semaphore, #tpu.memory_space<semaphore_mem>>)
      %dma_wait3A = arith.constant 0 : i32
      %dma_wait3A_31 = arith.constant 0 : i32
      %dma_wait3A_32 = tpu.memref_slice %arg3[%arg0, %dma_wait3A, %dma_wait3A_31] : memref<2x10240x16xf32, #tpu.memory_space<hbm>> -> memref<1x10240x16xf32, #tpu.memory_space<hbm>>
      %dma_wait3A_33 = tpu.memref_squeeze %dma_wait3A_32 : memref<1x10240x16xf32, #tpu.memory_space<hbm>> -> memref<10240x16xf32, #tpu.memory_space<hbm>>
      %dma_wait3A_34 = arith.constant 0 : i32
      %dma_wait3A_35 = tpu.memref_slice %dma_wait3A_33[%mul3A_22, %dma_wait3A_34] : memref<10240x16xf32, #tpu.memory_space<hbm>> -> memref<640x16xf32, #tpu.memory_space<hbm>>
      %dma_wait3A_36 = arith.constant 0 : i32
      %dma_wait3A_37 = tpu.memref_slice %arg6[%mul3A_22, %dma_wait3A_36] : memref<10240x16xf32, #tpu.memory_space<vmem_shared>> -> memref<640x16xf32, #tpu.memory_space<vmem_shared>>
      tpu.wait_dma2 semaphore(%run_scoped3A_23 : memref<!tpu.dma_semaphore, #tpu.memory_space<semaphore_mem>>) src(%dma_wait3A_37 : memref<640x16xf32, #tpu.memory_space<vmem_shared>>) dst(%dma_wait3A_35 : memref<640x16xf32, #tpu.memory_space<hbm>>)
      tpu.yield
    }) : () -> ()
    return
  }
}

#map = affine_map<(d0, d1) -> (0, 0, 0)>
#map1 = affine_map<(d0, d1) -> (0, 0, 0, 0)>
module attributes {stable_mosaic.version = 14 : i64} {
  func.func @k(%arg0: i32, %arg1: i32, %arg2: memref<2x10240x64xf32, #tpu.memory_space<hbm>>, %arg3: memref<2x32x79x128xi32, #tpu.memory_space<hbm>>, %arg4: memref<2x10240x64xf32, #tpu.memory_space<hbm>>, %arg5: memref<79x128xi32, #tpu.memory_space<vmem>>, %arg6: memref<79x128xi32, #tpu.memory_space<vmem>>, %arg7: memref<128x64xf32, #tpu.memory_space<vmem>>, %arg8: memref<128x64xf32, #tpu.memory_space<vmem>>, %arg9: memref<10240x64xf32, #tpu.memory_space<vmem_shared>>, %arg10: memref<10240x64xf32, #tpu.memory_space<vmem_shared>>, %arg11: memref<!tpu.dma_semaphore, #tpu.memory_space<semaphore_mem>>) attributes {dimension_semantics = [#tpu.dimension_semantics<core_parallel>, #tpu.dimension_semantics<subcore_parallel>], iteration_bounds = array<i64: 2, 16>, scalar_prefetch = 0 : i64, scratch_operands = 7 : i64, tpu.core_type = #tpu.core_type<sc_vector_subcore>, window_params = [{transform_indices = #map}, {transform_indices = #map1}, {transform_indices = #map}]} {
    %mul3A = arith.constant 640 : i32
    %mul3A_0 = arith.muli %arg1, %mul3A : i32
    %scan3A = arith.constant 0 : i32
    %scan3A_1 = arith.constant 128 : i32
    %scan3A_2 = arith.addi %scan3A, %scan3A_1 : i32
    %scan3A_3 = arith.constant 1 : i32
    scf.for %scan3A_31 = %scan3A to %scan3A_2 step %scan3A_3  : i32 {
      %mul3A_32 = arith.constant 1 : i32
      %mul3A_33 = arith.muli %scan3A_31, %mul3A_32 : i32
      %add3A_34 = arith.constant 0 : i32
      %add3A_35 = arith.addi %add3A_34, %mul3A_33 : i32
      %broadcast_in_dim3A = arith.constant 0.000000e+00 : f32
      %broadcast_in_dim3A_36 = vector.broadcast %broadcast_in_dim3A : f32 to vector<16xf32>
      %swap3A = arith.index_cast %add3A_35 : i32 to index
      %swap3A_37 = arith.constant 0 : index
      %swap3A_38 = tpu.vector_load %arg8[%swap3A, %swap3A_37] {strides = array<i32>} : memref<128x64xf32, #tpu.memory_space<vmem>>, vector<1x16xf32>,
      %swap3A_39 = vector.shape_cast %swap3A_38 : vector<1x16xf32> to vector<16xf32>
      %swap3A_40 = vector.shape_cast %broadcast_in_dim3A_36 : vector<16xf32> to vector<1x16xf32>
      tpu.vector_store %arg8[%swap3A, %swap3A_37], %swap3A_40 {strides = array<i32>} : memref<128x64xf32, #tpu.memory_space<vmem>>, vector<1x16xf32>,
      %broadcast_in_dim3A_41 = arith.constant 0.000000e+00 : f32
      %broadcast_in_dim3A_42 = vector.broadcast %broadcast_in_dim3A_41 : f32 to vector<16xf32>
      %swap3A_43 = arith.index_cast %add3A_35 : i32 to index
      %swap3A_44 = arith.constant 16 : index
      %swap3A_45 = tpu.vector_load %arg8[%swap3A_43, %swap3A_44] {strides = array<i32>} : memref<128x64xf32, #tpu.memory_space<vmem>>, vector<1x16xf32>,
      %swap3A_46 = vector.shape_cast %swap3A_45 : vector<1x16xf32> to vector<16xf32>
      %swap3A_47 = vector.shape_cast %broadcast_in_dim3A_42 : vector<16xf32> to vector<1x16xf32>
      tpu.vector_store %arg8[%swap3A_43, %swap3A_44], %swap3A_47 {strides = array<i32>} : memref<128x64xf32, #tpu.memory_space<vmem>>, vector<1x16xf32>,
      %broadcast_in_dim3A_48 = arith.constant 0.000000e+00 : f32
      %broadcast_in_dim3A_49 = vector.broadcast %broadcast_in_dim3A_48 : f32 to vector<16xf32>
      %swap3A_50 = arith.index_cast %add3A_35 : i32 to index
      %swap3A_51 = arith.constant 32 : index
      %swap3A_52 = tpu.vector_load %arg8[%swap3A_50, %swap3A_51] {strides = array<i32>} : memref<128x64xf32, #tpu.memory_space<vmem>>, vector<1x16xf32>,
      %swap3A_53 = vector.shape_cast %swap3A_52 : vector<1x16xf32> to vector<16xf32>
      %swap3A_54 = vector.shape_cast %broadcast_in_dim3A_49 : vector<16xf32> to vector<1x16xf32>
      tpu.vector_store %arg8[%swap3A_50, %swap3A_51], %swap3A_54 {strides = array<i32>} : memref<128x64xf32, #tpu.memory_space<vmem>>, vector<1x16xf32>,
      %broadcast_in_dim3A_55 = arith.constant 0.000000e+00 : f32
      %broadcast_in_dim3A_56 = vector.broadcast %broadcast_in_dim3A_55 : f32 to vector<16xf32>
      %swap3A_57 = arith.index_cast %add3A_35 : i32 to index
      %swap3A_58 = arith.constant 48 : index
      %swap3A_59 = tpu.vector_load %arg8[%swap3A_57, %swap3A_58] {strides = array<i32>} : memref<128x64xf32, #tpu.memory_space<vmem>>, vector<1x16xf32>,
      %swap3A_60 = vector.shape_cast %swap3A_59 : vector<1x16xf32> to vector<16xf32>
      %swap3A_61 = vector.shape_cast %broadcast_in_dim3A_56 : vector<16xf32> to vector<1x16xf32>
      tpu.vector_store %arg8[%swap3A_57, %swap3A_58], %swap3A_61 {strides = array<i32>} : memref<128x64xf32, #tpu.memory_space<vmem>>, vector<1x16xf32>,
    }
    %scan3A_4 = arith.constant 128 : i32
    "tpu.region"() ({
      %run_scoped3A_31 = tpu.sem_alloc : memref<!tpu.dma_semaphore, #tpu.memory_space<semaphore_mem>>
      %dma_start3A = arith.constant 0 : i32
      %dma_start3A_32 = tpu.memref_slice %arg9[%mul3A_0, %dma_start3A] : memref<10240x64xf32, #tpu.memory_space<vmem_shared>> -> memref<640x64xf32, #tpu.memory_space<vmem_shared>>
      %dma_start3A_33 = arith.constant 0 : i32
      %dma_start3A_34 = arith.constant 0 : i32
      %dma_start3A_35 = tpu.memref_slice %arg2[%arg0, %dma_start3A_33, %dma_start3A_34] : memref<2x10240x64xf32, #tpu.memory_space<hbm>> -> memref<1x10240x64xf32, #tpu.memory_space<hbm>>
      %dma_start3A_36 = tpu.memref_squeeze %dma_start3A_35 : memref<1x10240x64xf32, #tpu.memory_space<hbm>> -> memref<10240x64xf32, #tpu.memory_space<hbm>>
      %dma_start3A_37 = arith.constant 0 : i32
      %dma_start3A_38 = tpu.memref_slice %dma_start3A_36[%mul3A_0, %dma_start3A_37] : memref<10240x64xf32, #tpu.memory_space<hbm>> -> memref<640x64xf32, #tpu.memory_space<hbm>>
      tpu.enqueue_dma source(%dma_start3A_38 : memref<640x64xf32, #tpu.memory_space<hbm>>) target(%dma_start3A_32 : memref<640x64xf32, #tpu.memory_space<vmem_shared>>) target_semaphore(%run_scoped3A_31 : memref<!tpu.dma_semaphore, #tpu.memory_space<semaphore_mem>>)
      %dma_wait3A = arith.constant 0 : i32
      %dma_wait3A_39 = tpu.memref_slice %arg9[%mul3A_0, %dma_wait3A] : memref<10240x64xf32, #tpu.memory_space<vmem_shared>> -> memref<640x64xf32, #tpu.memory_space<vmem_shared>>
      %dma_wait3A_40 = arith.constant 0 : i32
      %dma_wait3A_41 = arith.constant 0 : i32
      %dma_wait3A_42 = tpu.memref_slice %arg2[%arg0, %dma_wait3A_40, %dma_wait3A_41] : memref<2x10240x64xf32, #tpu.memory_space<hbm>> -> memref<1x10240x64xf32, #tpu.memory_space<hbm>>
      %dma_wait3A_43 = tpu.memref_squeeze %dma_wait3A_42 : memref<1x10240x64xf32, #tpu.memory_space<hbm>> -> memref<10240x64xf32, #tpu.memory_space<hbm>>
      %dma_wait3A_44 = arith.constant 0 : i32
      %dma_wait3A_45 = tpu.memref_slice %dma_wait3A_43[%mul3A_0, %dma_wait3A_44] : memref<10240x64xf32, #tpu.memory_space<hbm>> -> memref<640x64xf32, #tpu.memory_space<hbm>>
      tpu.wait_dma2 semaphore(%run_scoped3A_31 : memref<!tpu.dma_semaphore, #tpu.memory_space<semaphore_mem>>) src(%dma_wait3A_45 : memref<640x64xf32, #tpu.memory_space<hbm>>) dst(%dma_wait3A_39 : memref<640x64xf32, #tpu.memory_space<vmem_shared>>)
      tpu.yield
    }) : () -> ()
    %scan3A_5 = arith.constant 0 : i32
    %scan3A_6 = arith.constant 5 : i32
    %scan3A_7 = arith.addi %scan3A_5, %scan3A_6 : i32
    %scan3A_8 = arith.constant 1 : i32
    scf.for %scan3A_31 = %scan3A_5 to %scan3A_7 step %scan3A_8  : i32 {
      %mul3A_32 = arith.constant 128 : i32
      %mul3A_33 = arith.muli %scan3A_31, %mul3A_32 : i32
      %add3A_34 = arith.constant 0 : i32
      %add3A_35 = arith.addi %add3A_34, %mul3A_33 : i32
      %mul3A_36 = arith.constant 640 : i32
      %mul3A_37 = arith.muli %arg1, %mul3A_36 : i32
      %add3A_38 = arith.addi %mul3A_37, %add3A_35 : i32
      "tpu.region"() ({
        %run_scoped3A_39 = tpu.sem_alloc : memref<!tpu.dma_semaphore, #tpu.memory_space<semaphore_mem>>
        %dma_start3A = arith.constant 0 : i32
        %dma_start3A_40 = tpu.memref_slice %arg10[%add3A_38, %dma_start3A] : memref<10240x64xf32, #tpu.memory_space<vmem_shared>> -> memref<128x64xf32, #tpu.memory_space<vmem_shared>>
        %dma_start3A_41 = arith.constant 0 : i32
        %dma_start3A_42 = tpu.memref_slice %arg10[%add3A_38, %dma_start3A_41] : memref<10240x64xf32, #tpu.memory_space<vmem_shared>> -> memref<128x64xf32, #tpu.memory_space<vmem_shared>>
        tpu.enqueue_dma source(%arg8 : memref<128x64xf32, #tpu.memory_space<vmem>>) target(%dma_start3A_42 : memref<128x64xf32, #tpu.memory_space<vmem_shared>>) target_semaphore(%run_scoped3A_39 : memref<!tpu.dma_semaphore, #tpu.memory_space<semaphore_mem>>)
        %dma_wait3A = arith.constant 0 : i32
        %dma_wait3A_43 = tpu.memref_slice %arg10[%add3A_38, %dma_wait3A] : memref<10240x64xf32, #tpu.memory_space<vmem_shared>> -> memref<128x64xf32, #tpu.memory_space<vmem_shared>>
        %dma_wait3A_44 = arith.constant 0 : i32
        %dma_wait3A_45 = tpu.memref_slice %arg10[%add3A_38, %dma_wait3A_44] : memref<10240x64xf32, #tpu.memory_space<vmem_shared>> -> memref<128x64xf32, #tpu.memory_space<vmem_shared>>
        tpu.wait_dma2 semaphore(%run_scoped3A_39 : memref<!tpu.dma_semaphore, #tpu.memory_space<semaphore_mem>>) src(%arg8 : memref<128x64xf32, #tpu.memory_space<vmem>>) dst(%dma_wait3A_45 : memref<128x64xf32, #tpu.memory_space<vmem_shared>>)
        tpu.yield
      }) : () -> ()
    }
    %scan3A_9 = arith.constant 5 : i32
    %barrier3A = arith.constant 0 : index
    tpu.barrier barrier_id(%barrier3A)
    %mul3A_10 = arith.constant 2 : i32
    %mul3A_11 = arith.muli %mul3A_10, %arg1 : i32
    %add3A = arith.constant 0 : i32
    %add3A_12 = arith.addi %mul3A_11, %add3A : i32
    %run_scoped3A = arith.constant 0 : i32
    "tpu.region"() ({
      %run_scoped3A_31 = tpu.sem_alloc : memref<!tpu.dma_semaphore, #tpu.memory_space<semaphore_mem>>
      %dma_start3A = arith.constant 0 : i32
      %dma_start3A_32 = arith.constant 0 : i32
      %dma_start3A_33 = arith.constant 0 : i32
      %dma_start3A_34 = tpu.memref_slice %arg3[%run_scoped3A, %dma_start3A, %dma_start3A_32, %dma_start3A_33] : memref<2x32x79x128xi32, #tpu.memory_space<hbm>> -> memref<1x32x79x128xi32, #tpu.memory_space<hbm>>
      %dma_start3A_35 = tpu.memref_squeeze %dma_start3A_34 : memref<1x32x79x128xi32, #tpu.memory_space<hbm>> -> memref<32x79x128xi32, #tpu.memory_space<hbm>>
      %dma_start3A_36 = arith.constant 0 : i32
      %dma_start3A_37 = arith.constant 0 : i32
      %dma_start3A_38 = tpu.memref_slice %dma_start3A_35[%add3A_12, %dma_start3A_36, %dma_start3A_37] : memref<32x79x128xi32, #tpu.memory_space<hbm>> -> memref<1x79x128xi32, #tpu.memory_space<hbm>>
      %dma_start3A_39 = tpu.memref_squeeze %dma_start3A_38 : memref<1x79x128xi32, #tpu.memory_space<hbm>> -> memref<79x128xi32, #tpu.memory_space<hbm>>
      %dma_start3A_40 = arith.constant 0 : i32
      %dma_start3A_41 = arith.constant 0 : i32
      %dma_start3A_42 = arith.constant 0 : i32
      %dma_start3A_43 = tpu.memref_slice %arg3[%run_scoped3A, %dma_start3A_40, %dma_start3A_41, %dma_start3A_42] : memref<2x32x79x128xi32, #tpu.memory_space<hbm>> -> memref<1x32x79x128xi32, #tpu.memory_space<hbm>>
      %dma_start3A_44 = tpu.memref_squeeze %dma_start3A_43 : memref<1x32x79x128xi32, #tpu.memory_space<hbm>> -> memref<32x79x128xi32, #tpu.memory_space<hbm>>
      %dma_start3A_45 = arith.constant 0 : i32
      %dma_start3A_46 = arith.constant 0 : i32
      %dma_start3A_47 = tpu.memref_slice %dma_start3A_44[%add3A_12, %dma_start3A_45, %dma_start3A_46] : memref<32x79x128xi32, #tpu.memory_space<hbm>> -> memref<1x79x128xi32, #tpu.memory_space<hbm>>
      %dma_start3A_48 = tpu.memref_squeeze %dma_start3A_47 : memref<1x79x128xi32, #tpu.memory_space<hbm>> -> memref<79x128xi32, #tpu.memory_space<hbm>>
      tpu.enqueue_dma source(%dma_start3A_48 : memref<79x128xi32, #tpu.memory_space<hbm>>) target(%arg5 : memref<79x128xi32, #tpu.memory_space<vmem>>) target_semaphore(%run_scoped3A_31 : memref<!tpu.dma_semaphore, #tpu.memory_space<semaphore_mem>>)
      %dma_wait3A = arith.constant 0 : i32
      %dma_wait3A_49 = arith.constant 0 : i32
      %dma_wait3A_50 = arith.constant 0 : i32
      %dma_wait3A_51 = tpu.memref_slice %arg3[%run_scoped3A, %dma_wait3A, %dma_wait3A_49, %dma_wait3A_50] : memref<2x32x79x128xi32, #tpu.memory_space<hbm>> -> memref<1x32x79x128xi32, #tpu.memory_space<hbm>>
      %dma_wait3A_52 = tpu.memref_squeeze %dma_wait3A_51 : memref<1x32x79x128xi32, #tpu.memory_space<hbm>> -> memref<32x79x128xi32, #tpu.memory_space<hbm>>
      %dma_wait3A_53 = arith.constant 0 : i32
      %dma_wait3A_54 = arith.constant 0 : i32
      %dma_wait3A_55 = tpu.memref_slice %dma_wait3A_52[%add3A_12, %dma_wait3A_53, %dma_wait3A_54] : memref<32x79x128xi32, #tpu.memory_space<hbm>> -> memref<1x79x128xi32, #tpu.memory_space<hbm>>
      %dma_wait3A_56 = tpu.memref_squeeze %dma_wait3A_55 : memref<1x79x128xi32, #tpu.memory_space<hbm>> -> memref<79x128xi32, #tpu.memory_space<hbm>>
      %dma_wait3A_57 = arith.constant 0 : i32
      %dma_wait3A_58 = arith.constant 0 : i32
      %dma_wait3A_59 = arith.constant 0 : i32
      %dma_wait3A_60 = tpu.memref_slice %arg3[%run_scoped3A, %dma_wait3A_57, %dma_wait3A_58, %dma_wait3A_59] : memref<2x32x79x128xi32, #tpu.memory_space<hbm>> -> memref<1x32x79x128xi32, #tpu.memory_space<hbm>>
      %dma_wait3A_61 = tpu.memref_squeeze %dma_wait3A_60 : memref<1x32x79x128xi32, #tpu.memory_space<hbm>> -> memref<32x79x128xi32, #tpu.memory_space<hbm>>
      %dma_wait3A_62 = arith.constant 0 : i32
      %dma_wait3A_63 = arith.constant 0 : i32
      %dma_wait3A_64 = tpu.memref_slice %dma_wait3A_61[%add3A_12, %dma_wait3A_62, %dma_wait3A_63] : memref<32x79x128xi32, #tpu.memory_space<hbm>> -> memref<1x79x128xi32, #tpu.memory_space<hbm>>
      %dma_wait3A_65 = tpu.memref_squeeze %dma_wait3A_64 : memref<1x79x128xi32, #tpu.memory_space<hbm>> -> memref<79x128xi32, #tpu.memory_space<hbm>>
      tpu.wait_dma2 semaphore(%run_scoped3A_31 : memref<!tpu.dma_semaphore, #tpu.memory_space<semaphore_mem>>) src(%dma_wait3A_65 : memref<79x128xi32, #tpu.memory_space<hbm>>) dst(%arg5 : memref<79x128xi32, #tpu.memory_space<vmem>>)
      tpu.yield
    }) : () -> ()
    %run_scoped3A_13 = arith.constant 1 : i32
    "tpu.region"() ({
      %run_scoped3A_31 = tpu.sem_alloc : memref<!tpu.dma_semaphore, #tpu.memory_space<semaphore_mem>>
      %dma_start3A = arith.constant 0 : i32
      %dma_start3A_32 = arith.constant 0 : i32
      %dma_start3A_33 = arith.constant 0 : i32
      %dma_start3A_34 = tpu.memref_slice %arg3[%run_scoped3A_13, %dma_start3A, %dma_start3A_32, %dma_start3A_33] : memref<2x32x79x128xi32, #tpu.memory_space<hbm>> -> memref<1x32x79x128xi32, #tpu.memory_space<hbm>>
      %dma_start3A_35 = tpu.memref_squeeze %dma_start3A_34 : memref<1x32x79x128xi32, #tpu.memory_space<hbm>> -> memref<32x79x128xi32, #tpu.memory_space<hbm>>
      %dma_start3A_36 = arith.constant 0 : i32
      %dma_start3A_37 = arith.constant 0 : i32
      %dma_start3A_38 = tpu.memref_slice %dma_start3A_35[%add3A_12, %dma_start3A_36, %dma_start3A_37] : memref<32x79x128xi32, #tpu.memory_space<hbm>> -> memref<1x79x128xi32, #tpu.memory_space<hbm>>
      %dma_start3A_39 = tpu.memref_squeeze %dma_start3A_38 : memref<1x79x128xi32, #tpu.memory_space<hbm>> -> memref<79x128xi32, #tpu.memory_space<hbm>>
      %dma_start3A_40 = arith.constant 0 : i32
      %dma_start3A_41 = arith.constant 0 : i32
      %dma_start3A_42 = arith.constant 0 : i32
      %dma_start3A_43 = tpu.memref_slice %arg3[%run_scoped3A_13, %dma_start3A_40, %dma_start3A_41, %dma_start3A_42] : memref<2x32x79x128xi32, #tpu.memory_space<hbm>> -> memref<1x32x79x128xi32, #tpu.memory_space<hbm>>
      %dma_start3A_44 = tpu.memref_squeeze %dma_start3A_43 : memref<1x32x79x128xi32, #tpu.memory_space<hbm>> -> memref<32x79x128xi32, #tpu.memory_space<hbm>>
      %dma_start3A_45 = arith.constant 0 : i32
      %dma_start3A_46 = arith.constant 0 : i32
      %dma_start3A_47 = tpu.memref_slice %dma_start3A_44[%add3A_12, %dma_start3A_45, %dma_start3A_46] : memref<32x79x128xi32, #tpu.memory_space<hbm>> -> memref<1x79x128xi32, #tpu.memory_space<hbm>>
      %dma_start3A_48 = tpu.memref_squeeze %dma_start3A_47 : memref<1x79x128xi32, #tpu.memory_space<hbm>> -> memref<79x128xi32, #tpu.memory_space<hbm>>
      tpu.enqueue_dma source(%dma_start3A_48 : memref<79x128xi32, #tpu.memory_space<hbm>>) target(%arg6 : memref<79x128xi32, #tpu.memory_space<vmem>>) target_semaphore(%run_scoped3A_31 : memref<!tpu.dma_semaphore, #tpu.memory_space<semaphore_mem>>)
      %dma_wait3A = arith.constant 0 : i32
      %dma_wait3A_49 = arith.constant 0 : i32
      %dma_wait3A_50 = arith.constant 0 : i32
      %dma_wait3A_51 = tpu.memref_slice %arg3[%run_scoped3A_13, %dma_wait3A, %dma_wait3A_49, %dma_wait3A_50] : memref<2x32x79x128xi32, #tpu.memory_space<hbm>> -> memref<1x32x79x128xi32, #tpu.memory_space<hbm>>
      %dma_wait3A_52 = tpu.memref_squeeze %dma_wait3A_51 : memref<1x32x79x128xi32, #tpu.memory_space<hbm>> -> memref<32x79x128xi32, #tpu.memory_space<hbm>>
      %dma_wait3A_53 = arith.constant 0 : i32
      %dma_wait3A_54 = arith.constant 0 : i32
      %dma_wait3A_55 = tpu.memref_slice %dma_wait3A_52[%add3A_12, %dma_wait3A_53, %dma_wait3A_54] : memref<32x79x128xi32, #tpu.memory_space<hbm>> -> memref<1x79x128xi32, #tpu.memory_space<hbm>>
      %dma_wait3A_56 = tpu.memref_squeeze %dma_wait3A_55 : memref<1x79x128xi32, #tpu.memory_space<hbm>> -> memref<79x128xi32, #tpu.memory_space<hbm>>
      %dma_wait3A_57 = arith.constant 0 : i32
      %dma_wait3A_58 = arith.constant 0 : i32
      %dma_wait3A_59 = arith.constant 0 : i32
      %dma_wait3A_60 = tpu.memref_slice %arg3[%run_scoped3A_13, %dma_wait3A_57, %dma_wait3A_58, %dma_wait3A_59] : memref<2x32x79x128xi32, #tpu.memory_space<hbm>> -> memref<1x32x79x128xi32, #tpu.memory_space<hbm>>
      %dma_wait3A_61 = tpu.memref_squeeze %dma_wait3A_60 : memref<1x32x79x128xi32, #tpu.memory_space<hbm>> -> memref<32x79x128xi32, #tpu.memory_space<hbm>>
      %dma_wait3A_62 = arith.constant 0 : i32
      %dma_wait3A_63 = arith.constant 0 : i32
      %dma_wait3A_64 = tpu.memref_slice %dma_wait3A_61[%add3A_12, %dma_wait3A_62, %dma_wait3A_63] : memref<32x79x128xi32, #tpu.memory_space<hbm>> -> memref<1x79x128xi32, #tpu.memory_space<hbm>>
      %dma_wait3A_65 = tpu.memref_squeeze %dma_wait3A_64 : memref<1x79x128xi32, #tpu.memory_space<hbm>> -> memref<79x128xi32, #tpu.memory_space<hbm>>
      tpu.wait_dma2 semaphore(%run_scoped3A_31 : memref<!tpu.dma_semaphore, #tpu.memory_space<semaphore_mem>>) src(%dma_wait3A_65 : memref<79x128xi32, #tpu.memory_space<hbm>>) dst(%arg6 : memref<79x128xi32, #tpu.memory_space<vmem>>)
      tpu.yield
    }) : () -> ()
    %scan3A_14 = arith.constant 0 : i32
    %scan3A_15 = arith.constant 79 : i32
    %scan3A_16 = arith.addi %scan3A_14, %scan3A_15 : i32
    %scan3A_17 = arith.constant 1 : i32
    scf.for %scan3A_31 = %scan3A_14 to %scan3A_16 step %scan3A_17  : i32 {
      %mul3A_32 = arith.constant 1 : i32
      %mul3A_33 = arith.muli %scan3A_31, %mul3A_32 : i32
      %add3A_34 = arith.constant 0 : i32
      %add3A_35 = arith.addi %add3A_34, %mul3A_33 : i32
      %dma_start3A = arith.constant 0 : i32
      %dma_start3A_36 = tpu.memref_slice %arg5[%add3A_35, %dma_start3A] : memref<79x128xi32, #tpu.memory_space<vmem>> -> memref<1x128xi32, #tpu.memory_space<vmem>>
      %dma_start3A_37 = tpu.memref_squeeze %dma_start3A_36 : memref<1x128xi32, #tpu.memory_space<vmem>> -> memref<128xi32, #tpu.memory_space<vmem>>
      %dma_start3A_38 = arith.constant 0 : i32
      %dma_start3A_39 = arith.constant 0 : i32
      %dma_start3A_40 = tpu.memref_slice %arg9[%dma_start3A_38, %dma_start3A_39] : memref<10240x64xf32, #tpu.memory_space<vmem_shared>> -> memref<10240x64xf32, #tpu.memory_space<vmem_shared>>
      tpu.enqueue_indirect_dma source(%dma_start3A_40 : memref<10240x64xf32, #tpu.memory_space<vmem_shared>>) target(%arg7 : memref<128x64xf32, #tpu.memory_space<vmem>>) offsets(%dma_start3A_37 : memref<128xi32, #tpu.memory_space<vmem>>) semaphore(%arg11 : memref<!tpu.dma_semaphore, #tpu.memory_space<semaphore_mem>>)
      %dma_wait3A = arith.constant 0 : i32
      %dma_wait3A_41 = tpu.memref_slice %arg5[%add3A_35, %dma_wait3A] : memref<79x128xi32, #tpu.memory_space<vmem>> -> memref<1x128xi32, #tpu.memory_space<vmem>>
      %dma_wait3A_42 = tpu.memref_squeeze %dma_wait3A_41 : memref<1x128xi32, #tpu.memory_space<vmem>> -> memref<128xi32, #tpu.memory_space<vmem>>
      %dma_wait3A_43 = arith.constant 0 : i32
      %dma_wait3A_44 = arith.constant 0 : i32
      %dma_wait3A_45 = tpu.memref_slice %arg9[%dma_wait3A_43, %dma_wait3A_44] : memref<10240x64xf32, #tpu.memory_space<vmem_shared>> -> memref<10240x64xf32, #tpu.memory_space<vmem_shared>>
      tpu.wait_indirect_dma semaphore(%arg11 : memref<!tpu.dma_semaphore, #tpu.memory_space<semaphore_mem>>) src(%dma_wait3A_45 : memref<10240x64xf32, #tpu.memory_space<vmem_shared>>) dst(%arg7 : memref<128x64xf32, #tpu.memory_space<vmem>>)
      "tpu.region"() ({
        %run_scoped3A_46 = tpu.sem_alloc : memref<!tpu.dma_semaphore, #tpu.memory_space<semaphore_mem>>
        %dma_start3A_47 = arith.constant 0 : i32
        %dma_start3A_48 = tpu.memref_slice %arg6[%add3A_35, %dma_start3A_47] : memref<79x128xi32, #tpu.memory_space<vmem>> -> memref<1x128xi32, #tpu.memory_space<vmem>>
        %dma_start3A_49 = tpu.memref_squeeze %dma_start3A_48 : memref<1x128xi32, #tpu.memory_space<vmem>> -> memref<128xi32, #tpu.memory_space<vmem>>
        %dma_start3A_50 = arith.constant 0 : i32
        %dma_start3A_51 = arith.constant 0 : i32
        %dma_start3A_52 = tpu.memref_slice %arg10[%dma_start3A_50, %dma_start3A_51] : memref<10240x64xf32, #tpu.memory_space<vmem_shared>> -> memref<10240x64xf32, #tpu.memory_space<vmem_shared>>
        tpu.enqueue_indirect_dma source(%arg7 : memref<128x64xf32, #tpu.memory_space<vmem>>) target(%dma_start3A_52 : memref<10240x64xf32, #tpu.memory_space<vmem_shared>>) offsets(%dma_start3A_49 : memref<128xi32, #tpu.memory_space<vmem>>) semaphore(%run_scoped3A_46 : memref<!tpu.dma_semaphore, #tpu.memory_space<semaphore_mem>>) {add = true}
        %dma_wait3A_53 = arith.constant 0 : i32
        %dma_wait3A_54 = tpu.memref_slice %arg6[%add3A_35, %dma_wait3A_53] : memref<79x128xi32, #tpu.memory_space<vmem>> -> memref<1x128xi32, #tpu.memory_space<vmem>>
        %dma_wait3A_55 = tpu.memref_squeeze %dma_wait3A_54 : memref<1x128xi32, #tpu.memory_space<vmem>> -> memref<128xi32, #tpu.memory_space<vmem>>
        %dma_wait3A_56 = arith.constant 0 : i32
        %dma_wait3A_57 = arith.constant 0 : i32
        %dma_wait3A_58 = tpu.memref_slice %arg10[%dma_wait3A_56, %dma_wait3A_57] : memref<10240x64xf32, #tpu.memory_space<vmem_shared>> -> memref<10240x64xf32, #tpu.memory_space<vmem_shared>>
        tpu.wait_indirect_dma semaphore(%run_scoped3A_46 : memref<!tpu.dma_semaphore, #tpu.memory_space<semaphore_mem>>) src(%arg7 : memref<128x64xf32, #tpu.memory_space<vmem>>) dst(%dma_wait3A_58 : memref<10240x64xf32, #tpu.memory_space<vmem_shared>>)
        tpu.yield
      }) : () -> ()
    }
    %scan3A_18 = arith.constant 79 : i32
    %mul3A_19 = arith.constant 2 : i32
    %mul3A_20 = arith.muli %mul3A_19, %arg1 : i32
    %add3A_21 = arith.constant 1 : i32
    %add3A_22 = arith.addi %mul3A_20, %add3A_21 : i32
    %run_scoped3A_23 = arith.constant 0 : i32
    "tpu.region"() ({
      %run_scoped3A_31 = tpu.sem_alloc : memref<!tpu.dma_semaphore, #tpu.memory_space<semaphore_mem>>
      %dma_start3A = arith.constant 0 : i32
      %dma_start3A_32 = arith.constant 0 : i32
      %dma_start3A_33 = arith.constant 0 : i32
      %dma_start3A_34 = tpu.memref_slice %arg3[%run_scoped3A_23, %dma_start3A, %dma_start3A_32, %dma_start3A_33] : memref<2x32x79x128xi32, #tpu.memory_space<hbm>> -> memref<1x32x79x128xi32, #tpu.memory_space<hbm>>
      %dma_start3A_35 = tpu.memref_squeeze %dma_start3A_34 : memref<1x32x79x128xi32, #tpu.memory_space<hbm>> -> memref<32x79x128xi32, #tpu.memory_space<hbm>>
      %dma_start3A_36 = arith.constant 0 : i32
      %dma_start3A_37 = arith.constant 0 : i32
      %dma_start3A_38 = tpu.memref_slice %dma_start3A_35[%add3A_22, %dma_start3A_36, %dma_start3A_37] : memref<32x79x128xi32, #tpu.memory_space<hbm>> -> memref<1x79x128xi32, #tpu.memory_space<hbm>>
      %dma_start3A_39 = tpu.memref_squeeze %dma_start3A_38 : memref<1x79x128xi32, #tpu.memory_space<hbm>> -> memref<79x128xi32, #tpu.memory_space<hbm>>
      %dma_start3A_40 = arith.constant 0 : i32
      %dma_start3A_41 = arith.constant 0 : i32
      %dma_start3A_42 = arith.constant 0 : i32
      %dma_start3A_43 = tpu.memref_slice %arg3[%run_scoped3A_23, %dma_start3A_40, %dma_start3A_41, %dma_start3A_42] : memref<2x32x79x128xi32, #tpu.memory_space<hbm>> -> memref<1x32x79x128xi32, #tpu.memory_space<hbm>>
      %dma_start3A_44 = tpu.memref_squeeze %dma_start3A_43 : memref<1x32x79x128xi32, #tpu.memory_space<hbm>> -> memref<32x79x128xi32, #tpu.memory_space<hbm>>
      %dma_start3A_45 = arith.constant 0 : i32
      %dma_start3A_46 = arith.constant 0 : i32
      %dma_start3A_47 = tpu.memref_slice %dma_start3A_44[%add3A_22, %dma_start3A_45, %dma_start3A_46] : memref<32x79x128xi32, #tpu.memory_space<hbm>> -> memref<1x79x128xi32, #tpu.memory_space<hbm>>
      %dma_start3A_48 = tpu.memref_squeeze %dma_start3A_47 : memref<1x79x128xi32, #tpu.memory_space<hbm>> -> memref<79x128xi32, #tpu.memory_space<hbm>>
      tpu.enqueue_dma source(%dma_start3A_48 : memref<79x128xi32, #tpu.memory_space<hbm>>) target(%arg5 : memref<79x128xi32, #tpu.memory_space<vmem>>) target_semaphore(%run_scoped3A_31 : memref<!tpu.dma_semaphore, #tpu.memory_space<semaphore_mem>>)
      %dma_wait3A = arith.constant 0 : i32
      %dma_wait3A_49 = arith.constant 0 : i32
      %dma_wait3A_50 = arith.constant 0 : i32
      %dma_wait3A_51 = tpu.memref_slice %arg3[%run_scoped3A_23, %dma_wait3A, %dma_wait3A_49, %dma_wait3A_50] : memref<2x32x79x128xi32, #tpu.memory_space<hbm>> -> memref<1x32x79x128xi32, #tpu.memory_space<hbm>>
      %dma_wait3A_52 = tpu.memref_squeeze %dma_wait3A_51 : memref<1x32x79x128xi32, #tpu.memory_space<hbm>> -> memref<32x79x128xi32, #tpu.memory_space<hbm>>
      %dma_wait3A_53 = arith.constant 0 : i32
      %dma_wait3A_54 = arith.constant 0 : i32
      %dma_wait3A_55 = tpu.memref_slice %dma_wait3A_52[%add3A_22, %dma_wait3A_53, %dma_wait3A_54] : memref<32x79x128xi32, #tpu.memory_space<hbm>> -> memref<1x79x128xi32, #tpu.memory_space<hbm>>
      %dma_wait3A_56 = tpu.memref_squeeze %dma_wait3A_55 : memref<1x79x128xi32, #tpu.memory_space<hbm>> -> memref<79x128xi32, #tpu.memory_space<hbm>>
      %dma_wait3A_57 = arith.constant 0 : i32
      %dma_wait3A_58 = arith.constant 0 : i32
      %dma_wait3A_59 = arith.constant 0 : i32
      %dma_wait3A_60 = tpu.memref_slice %arg3[%run_scoped3A_23, %dma_wait3A_57, %dma_wait3A_58, %dma_wait3A_59] : memref<2x32x79x128xi32, #tpu.memory_space<hbm>> -> memref<1x32x79x128xi32, #tpu.memory_space<hbm>>
      %dma_wait3A_61 = tpu.memref_squeeze %dma_wait3A_60 : memref<1x32x79x128xi32, #tpu.memory_space<hbm>> -> memref<32x79x128xi32, #tpu.memory_space<hbm>>
      %dma_wait3A_62 = arith.constant 0 : i32
      %dma_wait3A_63 = arith.constant 0 : i32
      %dma_wait3A_64 = tpu.memref_slice %dma_wait3A_61[%add3A_22, %dma_wait3A_62, %dma_wait3A_63] : memref<32x79x128xi32, #tpu.memory_space<hbm>> -> memref<1x79x128xi32, #tpu.memory_space<hbm>>
      %dma_wait3A_65 = tpu.memref_squeeze %dma_wait3A_64 : memref<1x79x128xi32, #tpu.memory_space<hbm>> -> memref<79x128xi32, #tpu.memory_space<hbm>>
      tpu.wait_dma2 semaphore(%run_scoped3A_31 : memref<!tpu.dma_semaphore, #tpu.memory_space<semaphore_mem>>) src(%dma_wait3A_65 : memref<79x128xi32, #tpu.memory_space<hbm>>) dst(%arg5 : memref<79x128xi32, #tpu.memory_space<vmem>>)
      tpu.yield
    }) : () -> ()
    %run_scoped3A_24 = arith.constant 1 : i32
    "tpu.region"() ({
      %run_scoped3A_31 = tpu.sem_alloc : memref<!tpu.dma_semaphore, #tpu.memory_space<semaphore_mem>>
      %dma_start3A = arith.constant 0 : i32
      %dma_start3A_32 = arith.constant 0 : i32
      %dma_start3A_33 = arith.constant 0 : i32
      %dma_start3A_34 = tpu.memref_slice %arg3[%run_scoped3A_24, %dma_start3A, %dma_start3A_32, %dma_start3A_33] : memref<2x32x79x128xi32, #tpu.memory_space<hbm>> -> memref<1x32x79x128xi32, #tpu.memory_space<hbm>>
      %dma_start3A_35 = tpu.memref_squeeze %dma_start3A_34 : memref<1x32x79x128xi32, #tpu.memory_space<hbm>> -> memref<32x79x128xi32, #tpu.memory_space<hbm>>
      %dma_start3A_36 = arith.constant 0 : i32
      %dma_start3A_37 = arith.constant 0 : i32
      %dma_start3A_38 = tpu.memref_slice %dma_start3A_35[%add3A_22, %dma_start3A_36, %dma_start3A_37] : memref<32x79x128xi32, #tpu.memory_space<hbm>> -> memref<1x79x128xi32, #tpu.memory_space<hbm>>
      %dma_start3A_39 = tpu.memref_squeeze %dma_start3A_38 : memref<1x79x128xi32, #tpu.memory_space<hbm>> -> memref<79x128xi32, #tpu.memory_space<hbm>>
      %dma_start3A_40 = arith.constant 0 : i32
      %dma_start3A_41 = arith.constant 0 : i32
      %dma_start3A_42 = arith.constant 0 : i32
      %dma_start3A_43 = tpu.memref_slice %arg3[%run_scoped3A_24, %dma_start3A_40, %dma_start3A_41, %dma_start3A_42] : memref<2x32x79x128xi32, #tpu.memory_space<hbm>> -> memref<1x32x79x128xi32, #tpu.memory_space<hbm>>
      %dma_start3A_44 = tpu.memref_squeeze %dma_start3A_43 : memref<1x32x79x128xi32, #tpu.memory_space<hbm>> -> memref<32x79x128xi32, #tpu.memory_space<hbm>>
      %dma_start3A_45 = arith.constant 0 : i32
      %dma_start3A_46 = arith.constant 0 : i32
      %dma_start3A_47 = tpu.memref_slice %dma_start3A_44[%add3A_22, %dma_start3A_45, %dma_start3A_46] : memref<32x79x128xi32, #tpu.memory_space<hbm>> -> memref<1x79x128xi32, #tpu.memory_space<hbm>>
      %dma_start3A_48 = tpu.memref_squeeze %dma_start3A_47 : memref<1x79x128xi32, #tpu.memory_space<hbm>> -> memref<79x128xi32, #tpu.memory_space<hbm>>
      tpu.enqueue_dma source(%dma_start3A_48 : memref<79x128xi32, #tpu.memory_space<hbm>>) target(%arg6 : memref<79x128xi32, #tpu.memory_space<vmem>>) target_semaphore(%run_scoped3A_31 : memref<!tpu.dma_semaphore, #tpu.memory_space<semaphore_mem>>)
      %dma_wait3A = arith.constant 0 : i32
      %dma_wait3A_49 = arith.constant 0 : i32
      %dma_wait3A_50 = arith.constant 0 : i32
      %dma_wait3A_51 = tpu.memref_slice %arg3[%run_scoped3A_24, %dma_wait3A, %dma_wait3A_49, %dma_wait3A_50] : memref<2x32x79x128xi32, #tpu.memory_space<hbm>> -> memref<1x32x79x128xi32, #tpu.memory_space<hbm>>
      %dma_wait3A_52 = tpu.memref_squeeze %dma_wait3A_51 : memref<1x32x79x128xi32, #tpu.memory_space<hbm>> -> memref<32x79x128xi32, #tpu.memory_space<hbm>>
      %dma_wait3A_53 = arith.constant 0 : i32
      %dma_wait3A_54 = arith.constant 0 : i32
      %dma_wait3A_55 = tpu.memref_slice %dma_wait3A_52[%add3A_22, %dma_wait3A_53, %dma_wait3A_54] : memref<32x79x128xi32, #tpu.memory_space<hbm>> -> memref<1x79x128xi32, #tpu.memory_space<hbm>>
      %dma_wait3A_56 = tpu.memref_squeeze %dma_wait3A_55 : memref<1x79x128xi32, #tpu.memory_space<hbm>> -> memref<79x128xi32, #tpu.memory_space<hbm>>
      %dma_wait3A_57 = arith.constant 0 : i32
      %dma_wait3A_58 = arith.constant 0 : i32
      %dma_wait3A_59 = arith.constant 0 : i32
      %dma_wait3A_60 = tpu.memref_slice %arg3[%run_scoped3A_24, %dma_wait3A_57, %dma_wait3A_58, %dma_wait3A_59] : memref<2x32x79x128xi32, #tpu.memory_space<hbm>> -> memref<1x32x79x128xi32, #tpu.memory_space<hbm>>
      %dma_wait3A_61 = tpu.memref_squeeze %dma_wait3A_60 : memref<1x32x79x128xi32, #tpu.memory_space<hbm>> -> memref<32x79x128xi32, #tpu.memory_space<hbm>>
      %dma_wait3A_62 = arith.constant 0 : i32
      %dma_wait3A_63 = arith.constant 0 : i32
      %dma_wait3A_64 = tpu.memref_slice %dma_wait3A_61[%add3A_22, %dma_wait3A_62, %dma_wait3A_63] : memref<32x79x128xi32, #tpu.memory_space<hbm>> -> memref<1x79x128xi32, #tpu.memory_space<hbm>>
      %dma_wait3A_65 = tpu.memref_squeeze %dma_wait3A_64 : memref<1x79x128xi32, #tpu.memory_space<hbm>> -> memref<79x128xi32, #tpu.memory_space<hbm>>
      tpu.wait_dma2 semaphore(%run_scoped3A_31 : memref<!tpu.dma_semaphore, #tpu.memory_space<semaphore_mem>>) src(%dma_wait3A_65 : memref<79x128xi32, #tpu.memory_space<hbm>>) dst(%arg6 : memref<79x128xi32, #tpu.memory_space<vmem>>)
      tpu.yield
    }) : () -> ()
    %scan3A_25 = arith.constant 0 : i32
    %scan3A_26 = arith.constant 79 : i32
    %scan3A_27 = arith.addi %scan3A_25, %scan3A_26 : i32
    %scan3A_28 = arith.constant 1 : i32
    scf.for %scan3A_31 = %scan3A_25 to %scan3A_27 step %scan3A_28  : i32 {
      %mul3A_32 = arith.constant 1 : i32
      %mul3A_33 = arith.muli %scan3A_31, %mul3A_32 : i32
      %add3A_34 = arith.constant 0 : i32
      %add3A_35 = arith.addi %add3A_34, %mul3A_33 : i32
      %dma_start3A = arith.constant 0 : i32
      %dma_start3A_36 = tpu.memref_slice %arg5[%add3A_35, %dma_start3A] : memref<79x128xi32, #tpu.memory_space<vmem>> -> memref<1x128xi32, #tpu.memory_space<vmem>>
      %dma_start3A_37 = tpu.memref_squeeze %dma_start3A_36 : memref<1x128xi32, #tpu.memory_space<vmem>> -> memref<128xi32, #tpu.memory_space<vmem>>
      %dma_start3A_38 = arith.constant 0 : i32
      %dma_start3A_39 = arith.constant 0 : i32
      %dma_start3A_40 = tpu.memref_slice %arg9[%dma_start3A_38, %dma_start3A_39] : memref<10240x64xf32, #tpu.memory_space<vmem_shared>> -> memref<10240x64xf32, #tpu.memory_space<vmem_shared>>
      tpu.enqueue_indirect_dma source(%dma_start3A_40 : memref<10240x64xf32, #tpu.memory_space<vmem_shared>>) target(%arg7 : memref<128x64xf32, #tpu.memory_space<vmem>>) offsets(%dma_start3A_37 : memref<128xi32, #tpu.memory_space<vmem>>) semaphore(%arg11 : memref<!tpu.dma_semaphore, #tpu.memory_space<semaphore_mem>>)
      %dma_wait3A = arith.constant 0 : i32
      %dma_wait3A_41 = tpu.memref_slice %arg5[%add3A_35, %dma_wait3A] : memref<79x128xi32, #tpu.memory_space<vmem>> -> memref<1x128xi32, #tpu.memory_space<vmem>>
      %dma_wait3A_42 = tpu.memref_squeeze %dma_wait3A_41 : memref<1x128xi32, #tpu.memory_space<vmem>> -> memref<128xi32, #tpu.memory_space<vmem>>
      %dma_wait3A_43 = arith.constant 0 : i32
      %dma_wait3A_44 = arith.constant 0 : i32
      %dma_wait3A_45 = tpu.memref_slice %arg9[%dma_wait3A_43, %dma_wait3A_44] : memref<10240x64xf32, #tpu.memory_space<vmem_shared>> -> memref<10240x64xf32, #tpu.memory_space<vmem_shared>>
      tpu.wait_indirect_dma semaphore(%arg11 : memref<!tpu.dma_semaphore, #tpu.memory_space<semaphore_mem>>) src(%dma_wait3A_45 : memref<10240x64xf32, #tpu.memory_space<vmem_shared>>) dst(%arg7 : memref<128x64xf32, #tpu.memory_space<vmem>>)
      "tpu.region"() ({
        %run_scoped3A_46 = tpu.sem_alloc : memref<!tpu.dma_semaphore, #tpu.memory_space<semaphore_mem>>
        %dma_start3A_47 = arith.constant 0 : i32
        %dma_start3A_48 = tpu.memref_slice %arg6[%add3A_35, %dma_start3A_47] : memref<79x128xi32, #tpu.memory_space<vmem>> -> memref<1x128xi32, #tpu.memory_space<vmem>>
        %dma_start3A_49 = tpu.memref_squeeze %dma_start3A_48 : memref<1x128xi32, #tpu.memory_space<vmem>> -> memref<128xi32, #tpu.memory_space<vmem>>
        %dma_start3A_50 = arith.constant 0 : i32
        %dma_start3A_51 = arith.constant 0 : i32
        %dma_start3A_52 = tpu.memref_slice %arg10[%dma_start3A_50, %dma_start3A_51] : memref<10240x64xf32, #tpu.memory_space<vmem_shared>> -> memref<10240x64xf32, #tpu.memory_space<vmem_shared>>
        tpu.enqueue_indirect_dma source(%arg7 : memref<128x64xf32, #tpu.memory_space<vmem>>) target(%dma_start3A_52 : memref<10240x64xf32, #tpu.memory_space<vmem_shared>>) offsets(%dma_start3A_49 : memref<128xi32, #tpu.memory_space<vmem>>) semaphore(%run_scoped3A_46 : memref<!tpu.dma_semaphore, #tpu.memory_space<semaphore_mem>>) {add = true}
        %dma_wait3A_53 = arith.constant 0 : i32
        %dma_wait3A_54 = tpu.memref_slice %arg6[%add3A_35, %dma_wait3A_53] : memref<79x128xi32, #tpu.memory_space<vmem>> -> memref<1x128xi32, #tpu.memory_space<vmem>>
        %dma_wait3A_55 = tpu.memref_squeeze %dma_wait3A_54 : memref<1x128xi32, #tpu.memory_space<vmem>> -> memref<128xi32, #tpu.memory_space<vmem>>
        %dma_wait3A_56 = arith.constant 0 : i32
        %dma_wait3A_57 = arith.constant 0 : i32
        %dma_wait3A_58 = tpu.memref_slice %arg10[%dma_wait3A_56, %dma_wait3A_57] : memref<10240x64xf32, #tpu.memory_space<vmem_shared>> -> memref<10240x64xf32, #tpu.memory_space<vmem_shared>>
        tpu.wait_indirect_dma semaphore(%run_scoped3A_46 : memref<!tpu.dma_semaphore, #tpu.memory_space<semaphore_mem>>) src(%arg7 : memref<128x64xf32, #tpu.memory_space<vmem>>) dst(%dma_wait3A_58 : memref<10240x64xf32, #tpu.memory_space<vmem_shared>>)
        tpu.yield
      }) : () -> ()
    }
    %scan3A_29 = arith.constant 79 : i32
    %barrier3A_30 = arith.constant 0 : index
    tpu.barrier barrier_id(%barrier3A_30)
    "tpu.region"() ({
      %run_scoped3A_31 = tpu.sem_alloc : memref<!tpu.dma_semaphore, #tpu.memory_space<semaphore_mem>>
      %dma_start3A = arith.constant 0 : i32
      %dma_start3A_32 = arith.constant 0 : i32
      %dma_start3A_33 = tpu.memref_slice %arg4[%arg0, %dma_start3A, %dma_start3A_32] : memref<2x10240x64xf32, #tpu.memory_space<hbm>> -> memref<1x10240x64xf32, #tpu.memory_space<hbm>>
      %dma_start3A_34 = tpu.memref_squeeze %dma_start3A_33 : memref<1x10240x64xf32, #tpu.memory_space<hbm>> -> memref<10240x64xf32, #tpu.memory_space<hbm>>
      %dma_start3A_35 = arith.constant 0 : i32
      %dma_start3A_36 = tpu.memref_slice %dma_start3A_34[%mul3A_0, %dma_start3A_35] : memref<10240x64xf32, #tpu.memory_space<hbm>> -> memref<640x64xf32, #tpu.memory_space<hbm>>
      %dma_start3A_37 = arith.constant 0 : i32
      %dma_start3A_38 = tpu.memref_slice %arg10[%mul3A_0, %dma_start3A_37] : memref<10240x64xf32, #tpu.memory_space<vmem_shared>> -> memref<640x64xf32, #tpu.memory_space<vmem_shared>>
      tpu.enqueue_dma source(%dma_start3A_38 : memref<640x64xf32, #tpu.memory_space<vmem_shared>>) target(%dma_start3A_36 : memref<640x64xf32, #tpu.memory_space<hbm>>) target_semaphore(%run_scoped3A_31 : memref<!tpu.dma_semaphore, #tpu.memory_space<semaphore_mem>>)
      %dma_wait3A = arith.constant 0 : i32
      %dma_wait3A_39 = arith.constant 0 : i32
      %dma_wait3A_40 = tpu.memref_slice %arg4[%arg0, %dma_wait3A, %dma_wait3A_39] : memref<2x10240x64xf32, #tpu.memory_space<hbm>> -> memref<1x10240x64xf32, #tpu.memory_space<hbm>>
      %dma_wait3A_41 = tpu.memref_squeeze %dma_wait3A_40 : memref<1x10240x64xf32, #tpu.memory_space<hbm>> -> memref<10240x64xf32, #tpu.memory_space<hbm>>
      %dma_wait3A_42 = arith.constant 0 : i32
      %dma_wait3A_43 = tpu.memref_slice %dma_wait3A_41[%mul3A_0, %dma_wait3A_42] : memref<10240x64xf32, #tpu.memory_space<hbm>> -> memref<640x64xf32, #tpu.memory_space<hbm>>
      %dma_wait3A_44 = arith.constant 0 : i32
      %dma_wait3A_45 = tpu.memref_slice %arg10[%mul3A_0, %dma_wait3A_44] : memref<10240x64xf32, #tpu.memory_space<vmem_shared>> -> memref<640x64xf32, #tpu.memory_space<vmem_shared>>
      tpu.wait_dma2 semaphore(%run_scoped3A_31 : memref<!tpu.dma_semaphore, #tpu.memory_space<semaphore_mem>>) src(%dma_wait3A_45 : memref<640x64xf32, #tpu.memory_space<vmem_shared>>) dst(%dma_wait3A_43 : memref<640x64xf32, #tpu.memory_space<hbm>>)
      tpu.yield
    }) : () -> ()
    return
  }
}

module attributes {stable_mosaic.version = 14 : i64} {
  func.func @body(%arg0: i32, %arg1: memref<1024x128xf32, #tpu.memory_space<vmem>>, %arg2: memref<128x128xf32, #tpu.memory_space<vmem>>, %arg3: memref<2x1024x16xf32, #tpu.memory_space<vmem>>, %arg4: memref<1024x16xf32, #tpu.memory_space<vmem>>, %arg5: memref<2x1024x64xf32, #tpu.memory_space<vmem>>) attributes {dimension_semantics = [#tpu.dimension_semantics<arbitrary>], iteration_bounds = array<i64: 10>, scalar_prefetch = 0 : i64, scratch_operands = 0 : i64, tpu.core_type = #tpu.core_type<tc>, window_params = [{transform_indices = @transform_0, window_bounds = array<i64: 1024, 128>}, {pipeline_mode = #tpu.pipeline_mode<synchronous>, transform_indices = @transform_1, window_bounds = array<i64: 128, 128>}, {transform_indices = @transform_2, window_bounds = array<i64: 2, 1024, 16>}, {transform_indices = @transform_3, window_bounds = array<i64: 1024, 16>}, {transform_indices = @transform_4, window_bounds = array<i64: 2, 1024, 64>}]} {
    %iota3A = tpu.iota {dimensions = array<i32: 0>} : vector<1024x1xi32>
    %mul3A = arith.constant 1024 : i32
    %mul3A_0 = arith.muli %arg0, %mul3A : i32
    %add3A = vector.broadcast %mul3A_0 : i32 to vector<1024x1xi32>
    %add3A_1 = arith.addi %iota3A, %add3A : vector<1024x1xi32>
    %get3A = arith.constant 0 : index
    %get3A_2 = arith.constant 0 : index
    %get3A_3 = arith.constant 0 : index
    %get3A_4 = vector.load %arg3[%get3A, %get3A_2, %get3A_3] : memref<2x1024x16xf32, #tpu.memory_space<vmem>>, vector<1x1024x1xf32>
    %get3A_5 = vector.shape_cast %get3A_4 : vector<1x1024x1xf32> to vector<1024x1xf32>
    %get3A_6 = arith.constant 1 : index
    %get3A_7 = arith.constant 0 : index
    %get3A_8 = arith.constant 0 : index
    %get3A_9 = vector.load %arg3[%get3A_6, %get3A_7, %get3A_8] : memref<2x1024x16xf32, #tpu.memory_space<vmem>>, vector<1x1024x1xf32>
    %get3A_10 = vector.shape_cast %get3A_9 : vector<1x1024x1xf32> to vector<1024x1xf32>
    %add3A_11 = arith.addf %get3A_5, %get3A_10 : vector<1024x1xf32>
    %lt3A = arith.constant 10000 : i32
    %lt3A_12 = vector.broadcast %lt3A : i32 to vector<1024x1xi32>
    %lt3A_13 = arith.cmpi slt, %add3A_1, %lt3A_12 : vector<1024x1xi32>
    %jit3A = arith.constant 1.000000e+00 : f32
    %jit3A_14 = arith.constant 0.000000e+00 : f32
    %broadcast_in_dim3A = vector.broadcast %jit3A : f32 to vector<1024x1xf32>
    %broadcast_in_dim3A_15 = vector.broadcast %jit3A_14 : f32 to vector<1024x1xf32>
    %select_n3A = arith.select %lt3A_13, %broadcast_in_dim3A, %broadcast_in_dim3A_15 : vector<1024x1xi1>, vector<1024x1xf32>
    %add3A_16 = arith.addf %add3A_11, %select_n3A : vector<1024x1xf32>
    %gt3A = arith.constant 0.000000e+00 : f32
    %gt3A_17 = vector.broadcast %gt3A : f32 to vector<1024x1xf32>
    %gt3A_18 = arith.cmpf ogt, %add3A_16, %gt3A_17 : vector<1024x1xf32>
    %max3A = arith.constant 9.99999996E-13 : f32
    %max3A_19 = vector.broadcast %max3A : f32 to vector<1024x1xf32>
    %max3A_20 = arith.maximumf %add3A_16, %max3A_19 : vector<1024x1xf32>
    %rsqrt3A = math.rsqrt %max3A_20 : vector<1024x1xf32>
    %jit3A_21 = arith.constant 0.000000e+00 : f32
    %broadcast_in_dim3A_22 = vector.broadcast %jit3A_21 : f32 to vector<1024x1xf32>
    %select_n3A_23 = arith.select %gt3A_18, %rsqrt3A, %broadcast_in_dim3A_22 : vector<1024x1xi1>, vector<1024x1xf32>
    %broadcast_in_dim3A_24 = vector.shape_cast %select_n3A_23 : vector<1024x1xf32> to vector<1024x1xf32>
    %broadcast_in_dim3A_25 = vector.broadcast %broadcast_in_dim3A_24 : vector<1024x1xf32> to vector<1024x16xf32>
    %swap3A = arith.constant 0 : index
    %swap3A_26 = arith.constant 0 : index
    %swap3A_27 = vector.load %arg4[%swap3A, %swap3A_26] : memref<1024x16xf32, #tpu.memory_space<vmem>>, vector<1024x16xf32>
    tpu.vector_store %arg4[%swap3A, %swap3A_26], %broadcast_in_dim3A_25 {strides = array<i32>} : memref<1024x16xf32, #tpu.memory_space<vmem>>, vector<1024x16xf32>,
    %get3A_28 = arith.constant 0 : index
    %get3A_29 = arith.constant 0 : index
    %get3A_30 = vector.load %arg1[%get3A_28, %get3A_29] : memref<1024x128xf32, #tpu.memory_space<vmem>>, vector<1024x128xf32>
    %get3A_31 = arith.constant 0 : index
    %get3A_32 = arith.constant 0 : index
    %get3A_33 = vector.load %arg2[%get3A_31, %get3A_32] : memref<128x128xf32, #tpu.memory_space<vmem>>, vector<128x128xf32>
    %dot_general3A = arith.constant dense<0.000000e+00> : vector<1024x128xf32>
    %dot_general3A_34 = tpu.matmul %get3A_30, %get3A_33, %dot_general3A {dimension_numbers = #tpu.dot_dimension_numbers<[1], [0], [0], [1], [0, 0, 1, 1], [], []>, transpose_lhs_hint = false} : vector<1024x128xf32>, vector<128x128xf32>, vector<1024x128xf32> -> vector<1024x128xf32>
    %mul3A_35 = vector.broadcast %select_n3A_23 : vector<1024x1xf32> to vector<1024x128xf32>
    %mul3A_36 = arith.mulf %mul3A_35, %dot_general3A_34 : vector<1024x128xf32>
    %slice3A = vector.extract_strided_slice %mul3A_36 {offsets = [0, 0], sizes = [1024, 64], strides = [1, 1]} : vector<1024x128xf32> to vector<1024x64xf32>
    %swap3A_37 = arith.constant 0 : index
    %swap3A_38 = arith.constant 0 : index
    %swap3A_39 = arith.constant 0 : index
    %swap3A_40 = vector.load %arg5[%swap3A_37, %swap3A_38, %swap3A_39] : memref<2x1024x64xf32, #tpu.memory_space<vmem>>, vector<1x1024x64xf32>
    %swap3A_41 = vector.shape_cast %swap3A_40 : vector<1x1024x64xf32> to vector<1024x64xf32>
    %swap3A_42 = vector.shape_cast %slice3A : vector<1024x64xf32> to vector<1x1024x64xf32>
    tpu.vector_store %arg5[%swap3A_37, %swap3A_38, %swap3A_39], %swap3A_42 {strides = array<i32>} : memref<2x1024x64xf32, #tpu.memory_space<vmem>>, vector<1x1024x64xf32>,
    %slice3A_43 = vector.extract_strided_slice %mul3A_36 {offsets = [0, 64], sizes = [1024, 64], strides = [1, 1]} : vector<1024x128xf32> to vector<1024x64xf32>
    %swap3A_44 = arith.constant 1 : index
    %swap3A_45 = arith.constant 0 : index
    %swap3A_46 = arith.constant 0 : index
    %swap3A_47 = vector.load %arg5[%swap3A_44, %swap3A_45, %swap3A_46] : memref<2x1024x64xf32, #tpu.memory_space<vmem>>, vector<1x1024x64xf32>
    %swap3A_48 = vector.shape_cast %swap3A_47 : vector<1x1024x64xf32> to vector<1024x64xf32>
    %swap3A_49 = vector.shape_cast %slice3A_43 : vector<1024x64xf32> to vector<1x1024x64xf32>
    tpu.vector_store %arg5[%swap3A_44, %swap3A_45, %swap3A_46], %swap3A_49 {strides = array<i32>} : memref<2x1024x64xf32, #tpu.memory_space<vmem>>, vector<1x1024x64xf32>,
    return
  }
  func.func @transform_0(%arg0: i32) -> (i32, i32) {
    %c0_i32 = arith.constant 0 : i32
    %c0_i32_0 = arith.constant 0 : i32
    return %arg0, %c0_i32 : i32, i32
  }
  func.func @transform_1(%arg0: i32) -> (i32, i32) {
    %c0_i32 = arith.constant 0 : i32
    %c0_i32_0 = arith.constant 0 : i32
    %c0_i32_1 = arith.constant 0 : i32
    return %c0_i32, %c0_i32_0 : i32, i32
  }
  func.func @transform_2(%arg0: i32) -> (i32, i32, i32) {
    %c0_i32 = arith.constant 0 : i32
    %c0_i32_0 = arith.constant 0 : i32
    %c0_i32_1 = arith.constant 0 : i32
    return %c0_i32, %arg0, %c0_i32_0 : i32, i32, i32
  }
  func.func @transform_3(%arg0: i32) -> (i32, i32) {
    %c0_i32 = arith.constant 0 : i32
    %c0_i32_0 = arith.constant 0 : i32
    return %arg0, %c0_i32 : i32, i32
  }
  func.func @transform_4(%arg0: i32) -> (i32, i32, i32) {
    %c0_i32 = arith.constant 0 : i32
    %c0_i32_0 = arith.constant 0 : i32
    %c0_i32_1 = arith.constant 0 : i32
    return %c0_i32, %arg0, %c0_i32_0 : i32, i32, i32
  }
}

module attributes {stable_mosaic.version = 14 : i64} {
  func.func @body(%arg0: i32, %arg1: memref<2x1024x64xf32, #tpu.memory_space<vmem>>, %arg2: memref<2x1024x64xf32, #tpu.memory_space<vmem>>, %arg3: memref<1024x16xf32, #tpu.memory_space<vmem>>, %arg4: memref<1x128xf32, #tpu.memory_space<vmem>>, %arg5: memref<128x64xf32, #tpu.memory_space<vmem>>, %arg6: memref<1x1024x64xf32, #tpu.memory_space<vmem>>) attributes {dimension_semantics = [#tpu.dimension_semantics<arbitrary>], iteration_bounds = array<i64: 10>, scalar_prefetch = 0 : i64, scratch_operands = 0 : i64, tpu.core_type = #tpu.core_type<tc>, window_params = [{transform_indices = @transform_0, window_bounds = array<i64: 2, 1024, 64>}, {transform_indices = @transform_1, window_bounds = array<i64: 2, 1024, 64>}, {transform_indices = @transform_2, window_bounds = array<i64: 1024, 16>}, {pipeline_mode = #tpu.pipeline_mode<synchronous>, transform_indices = @transform_3, window_bounds = array<i64: 1, 128>}, {pipeline_mode = #tpu.pipeline_mode<synchronous>, transform_indices = @transform_4, window_bounds = array<i64: 128, 64>}, {transform_indices = @transform_5, window_bounds = array<i64: 1, 1024, 64>}]} {
    %get3A = arith.constant 0 : index
    %get3A_0 = arith.constant 0 : index
    %get3A_1 = vector.load %arg3[%get3A, %get3A_0] : memref<1024x16xf32, #tpu.memory_space<vmem>>, vector<1024x1xf32>
    %get3A_2 = arith.constant 0 : index
    %get3A_3 = arith.constant 0 : index
    %get3A_4 = arith.constant 0 : index
    %get3A_5 = vector.load %arg1[%get3A_2, %get3A_3, %get3A_4] : memref<2x1024x64xf32, #tpu.memory_space<vmem>>, vector<1x1024x64xf32>
    %get3A_6 = vector.shape_cast %get3A_5 : vector<1x1024x64xf32> to vector<1024x64xf32>
    %get3A_7 = arith.constant 0 : index
    %get3A_8 = arith.constant 0 : index
    %get3A_9 = arith.constant 0 : index
    %get3A_10 = vector.load %arg2[%get3A_7, %get3A_8, %get3A_9] : memref<2x1024x64xf32, #tpu.memory_space<vmem>>, vector<1x1024x64xf32>
    %get3A_11 = vector.shape_cast %get3A_10 : vector<1x1024x64xf32> to vector<1024x64xf32>
    %add3A = arith.addf %get3A_6, %get3A_11 : vector<1024x64xf32>
    %mul3A = vector.broadcast %get3A_1 : vector<1024x1xf32> to vector<1024x64xf32>
    %mul3A_12 = arith.mulf %mul3A, %add3A : vector<1024x64xf32>
    %get3A_13 = arith.constant 0 : index
    %get3A_14 = arith.constant 0 : index
    %get3A_15 = vector.load %arg4[%get3A_13, %get3A_14] : memref<1x128xf32, #tpu.memory_space<vmem>>, vector<1x64xf32>
    %add3A_16 = vector.broadcast %get3A_15 : vector<1x64xf32> to vector<1024x64xf32>
    %add3A_17 = arith.addf %mul3A_12, %add3A_16 : vector<1024x64xf32>
    %max3A = arith.constant 0.000000e+00 : f32
    %max3A_18 = vector.broadcast %max3A : f32 to vector<1024x64xf32>
    %max3A_19 = arith.maximumf %add3A_17, %max3A_18 : vector<1024x64xf32>
    %get3A_20 = arith.constant 1 : index
    %get3A_21 = arith.constant 0 : index
    %get3A_22 = arith.constant 0 : index
    %get3A_23 = vector.load %arg1[%get3A_20, %get3A_21, %get3A_22] : memref<2x1024x64xf32, #tpu.memory_space<vmem>>, vector<1x1024x64xf32>
    %get3A_24 = vector.shape_cast %get3A_23 : vector<1x1024x64xf32> to vector<1024x64xf32>
    %get3A_25 = arith.constant 1 : index
    %get3A_26 = arith.constant 0 : index
    %get3A_27 = arith.constant 0 : index
    %get3A_28 = vector.load %arg2[%get3A_25, %get3A_26, %get3A_27] : memref<2x1024x64xf32, #tpu.memory_space<vmem>>, vector<1x1024x64xf32>
    %get3A_29 = vector.shape_cast %get3A_28 : vector<1x1024x64xf32> to vector<1024x64xf32>
    %add3A_30 = arith.addf %get3A_24, %get3A_29 : vector<1024x64xf32>
    %mul3A_31 = vector.broadcast %get3A_1 : vector<1024x1xf32> to vector<1024x64xf32>
    %mul3A_32 = arith.mulf %mul3A_31, %add3A_30 : vector<1024x64xf32>
    %get3A_33 = arith.constant 0 : index
    %get3A_34 = arith.constant 64 : index
    %get3A_35 = vector.load %arg4[%get3A_33, %get3A_34] : memref<1x128xf32, #tpu.memory_space<vmem>>, vector<1x64xf32>
    %add3A_36 = vector.broadcast %get3A_35 : vector<1x64xf32> to vector<1024x64xf32>
    %add3A_37 = arith.addf %mul3A_32, %add3A_36 : vector<1024x64xf32>
    %max3A_38 = arith.constant 0.000000e+00 : f32
    %max3A_39 = vector.broadcast %max3A_38 : f32 to vector<1024x64xf32>
    %max3A_40 = arith.maximumf %add3A_37, %max3A_39 : vector<1024x64xf32>
    %concatenate3A = tpu.concatenate %max3A_19, %max3A_40 in 1 : vector<1024x64xf32>, vector<1024x64xf32> -> vector<1024x128xf32>
    %get3A_41 = arith.constant 0 : index
    %get3A_42 = arith.constant 0 : index
    %get3A_43 = vector.load %arg5[%get3A_41, %get3A_42] : memref<128x64xf32, #tpu.memory_space<vmem>>, vector<128x64xf32>
    %dot_general3A = arith.constant dense<0.000000e+00> : vector<1024x64xf32>
    %dot_general3A_44 = tpu.matmul %concatenate3A, %get3A_43, %dot_general3A {dimension_numbers = #tpu.dot_dimension_numbers<[1], [0], [0], [1], [0, 0, 1, 1], [], []>, transpose_lhs_hint = false} : vector<1024x128xf32>, vector<128x64xf32>, vector<1024x64xf32> -> vector<1024x64xf32>
    %mul3A_45 = vector.broadcast %get3A_1 : vector<1024x1xf32> to vector<1024x64xf32>
    %mul3A_46 = arith.mulf %mul3A_45, %dot_general3A_44 : vector<1024x64xf32>
    %swap3A = arith.constant 0 : index
    %swap3A_47 = arith.constant 0 : index
    %swap3A_48 = arith.constant 0 : index
    %swap3A_49 = vector.load %arg6[%swap3A, %swap3A_47, %swap3A_48] : memref<1x1024x64xf32, #tpu.memory_space<vmem>>, vector<1x1024x64xf32>
    %swap3A_50 = vector.shape_cast %swap3A_49 : vector<1x1024x64xf32> to vector<1024x64xf32>
    %swap3A_51 = vector.shape_cast %mul3A_46 : vector<1024x64xf32> to vector<1x1024x64xf32>
    tpu.vector_store %arg6[%swap3A, %swap3A_47, %swap3A_48], %swap3A_51 {strides = array<i32>} : memref<1x1024x64xf32, #tpu.memory_space<vmem>>, vector<1x1024x64xf32>,
    return
  }
  func.func @transform_0(%arg0: i32) -> (i32, i32, i32) {
    %c0_i32 = arith.constant 0 : i32
    %c0_i32_0 = arith.constant 0 : i32
    %c0_i32_1 = arith.constant 0 : i32
    return %c0_i32, %arg0, %c0_i32_0 : i32, i32, i32
  }
  func.func @transform_1(%arg0: i32) -> (i32, i32, i32) {
    %c0_i32 = arith.constant 0 : i32
    %c0_i32_0 = arith.constant 0 : i32
    %c0_i32_1 = arith.constant 0 : i32
    return %c0_i32, %arg0, %c0_i32_0 : i32, i32, i32
  }
  func.func @transform_2(%arg0: i32) -> (i32, i32) {
    %c0_i32 = arith.constant 0 : i32
    %c0_i32_0 = arith.constant 0 : i32
    return %arg0, %c0_i32 : i32, i32
  }
  func.func @transform_3(%arg0: i32) -> (i32, i32) {
    %c0_i32 = arith.constant 0 : i32
    %c0_i32_0 = arith.constant 0 : i32
    %c0_i32_1 = arith.constant 0 : i32
    return %c0_i32, %c0_i32_0 : i32, i32
  }
  func.func @transform_4(%arg0: i32) -> (i32, i32) {
    %c0_i32 = arith.constant 0 : i32
    %c0_i32_0 = arith.constant 0 : i32
    %c0_i32_1 = arith.constant 0 : i32
    return %c0_i32, %c0_i32_0 : i32, i32
  }
  func.func @transform_5(%arg0: i32) -> (i32, i32, i32) {
    %c0_i32 = arith.constant 0 : i32
    %c0_i32_0 = arith.constant 0 : i32
    %c0_i32_1 = arith.constant 0 : i32
    return %c0_i32, %arg0, %c0_i32_0 : i32, i32, i32
  }
}

module attributes {stable_mosaic.version = 14 : i64} {
  func.func @body(%arg0: i32, %arg1: memref<2x1x400x64xf32, #tpu.memory_space<vmem>>, %arg2: memref<1x400x64xf32, #tpu.memory_space<vmem>>, %arg3: memref<400x16xf32, #tpu.memory_space<vmem>>, %arg4: memref<1x64xf32, #tpu.memory_space<vmem>>, %arg5: memref<400x64xf32, #tpu.memory_space<vmem>>) attributes {dimension_semantics = [#tpu.dimension_semantics<arbitrary>], iteration_bounds = array<i64: 25>, scalar_prefetch = 0 : i64, scratch_operands = 0 : i64, tpu.core_type = #tpu.core_type<tc>, window_params = [{transform_indices = @transform_0, window_bounds = array<i64: 2, 1, 400, 64>}, {transform_indices = @transform_1, window_bounds = array<i64: 1, 400, 64>}, {transform_indices = @transform_2, window_bounds = array<i64: 400, 16>}, {pipeline_mode = #tpu.pipeline_mode<synchronous>, transform_indices = @transform_3, window_bounds = array<i64: 1, 64>}, {transform_indices = @transform_4, window_bounds = array<i64: 400, 64>}]} {
    %get3A = arith.constant 0 : index
    %get3A_0 = arith.constant 0 : index
    %get3A_1 = vector.load %arg3[%get3A, %get3A_0] : memref<400x16xf32, #tpu.memory_space<vmem>>, vector<400x1xf32>
    %get3A_2 = arith.constant 0 : index
    %get3A_3 = arith.constant 0 : index
    %get3A_4 = arith.constant 0 : index
    %get3A_5 = arith.constant 0 : index
    %get3A_6 = vector.load %arg1[%get3A_2, %get3A_3, %get3A_4, %get3A_5] : memref<2x1x400x64xf32, #tpu.memory_space<vmem>>, vector<1x1x400x64xf32>
    %get3A_7 = vector.shape_cast %get3A_6 : vector<1x1x400x64xf32> to vector<400x64xf32>
    %get3A_8 = arith.constant 1 : index
    %get3A_9 = arith.constant 0 : index
    %get3A_10 = arith.constant 0 : index
    %get3A_11 = arith.constant 0 : index
    %get3A_12 = vector.load %arg1[%get3A_8, %get3A_9, %get3A_10, %get3A_11] : memref<2x1x400x64xf32, #tpu.memory_space<vmem>>, vector<1x1x400x64xf32>
    %get3A_13 = vector.shape_cast %get3A_12 : vector<1x1x400x64xf32> to vector<400x64xf32>
    %add3A = arith.addf %get3A_7, %get3A_13 : vector<400x64xf32>
    %get3A_14 = arith.constant 0 : index
    %get3A_15 = arith.constant 0 : index
    %get3A_16 = arith.constant 0 : index
    %get3A_17 = vector.load %arg2[%get3A_14, %get3A_15, %get3A_16] : memref<1x400x64xf32, #tpu.memory_space<vmem>>, vector<1x400x64xf32>
    %get3A_18 = vector.shape_cast %get3A_17 : vector<1x400x64xf32> to vector<400x64xf32>
    %add3A_19 = arith.addf %add3A, %get3A_18 : vector<400x64xf32>
    %mul3A = vector.broadcast %get3A_1 : vector<400x1xf32> to vector<400x64xf32>
    %mul3A_20 = arith.mulf %mul3A, %add3A_19 : vector<400x64xf32>
    %get3A_21 = arith.constant 0 : index
    %get3A_22 = arith.constant 0 : index
    %get3A_23 = vector.load %arg4[%get3A_21, %get3A_22] : memref<1x64xf32, #tpu.memory_space<vmem>>, vector<1x64xf32>
    %add3A_24 = vector.broadcast %get3A_23 : vector<1x64xf32> to vector<400x64xf32>
    %add3A_25 = arith.addf %mul3A_20, %add3A_24 : vector<400x64xf32>
    %swap3A = arith.constant 0 : index
    %swap3A_26 = arith.constant 0 : index
    %swap3A_27 = vector.load %arg5[%swap3A, %swap3A_26] : memref<400x64xf32, #tpu.memory_space<vmem>>, vector<400x64xf32>
    tpu.vector_store %arg5[%swap3A, %swap3A_26], %add3A_25 {strides = array<i32>} : memref<400x64xf32, #tpu.memory_space<vmem>>, vector<400x64xf32>,
    return
  }
  func.func @transform_0(%arg0: i32) -> (i32, i32, i32, i32) {
    %c0_i32 = arith.constant 0 : i32
    %c0_i32_0 = arith.constant 0 : i32
    %c0_i32_1 = arith.constant 0 : i32
    %c0_i32_2 = arith.constant 0 : i32
    return %c0_i32, %c0_i32_0, %arg0, %c0_i32_1 : i32, i32, i32, i32
  }
  func.func @transform_1(%arg0: i32) -> (i32, i32, i32) {
    %c0_i32 = arith.constant 0 : i32
    %c0_i32_0 = arith.constant 0 : i32
    %c0_i32_1 = arith.constant 0 : i32
    return %c0_i32, %arg0, %c0_i32_0 : i32, i32, i32
  }
  func.func @transform_2(%arg0: i32) -> (i32, i32) {
    %c0_i32 = arith.constant 0 : i32
    %c0_i32_0 = arith.constant 0 : i32
    return %arg0, %c0_i32 : i32, i32
  }
  func.func @transform_3(%arg0: i32) -> (i32, i32) {
    %c0_i32 = arith.constant 0 : i32
    %c0_i32_0 = arith.constant 0 : i32
    %c0_i32_1 = arith.constant 0 : i32
    return %c0_i32, %c0_i32_0 : i32, i32
  }
  func.func @transform_4(%arg0: i32) -> (i32, i32) {
    %c0_i32 = arith.constant 0 : i32
    %c0_i32_0 = arith.constant 0 : i32
    return %arg0, %c0_i32 : i32, i32
  }
}

</mosaic_0001>

<sc_bundles>
// kernel: kernel.11.cloned.1.call-start
scs
__scs_entry_jumppad:
0x0: {  	(pc) =	sbr.rel $0x88, $3  }
0x1: {  	(tag) =	ssettag $0x0;
	lr =	simm.s32 $0x1  }
0x2: {  	[smem:$0x3F9B] =	sst lr;
	_ =	strace $0xD0000000  }
0x3: {  	_ = 	snop  }
0x4: {  	_ = 	snop  }
0x5: {  	_ = 	snop  }
0x6: {  	_ = 	snop  }
0x7: {  	_ = 	snop  }
__scs_overlays_trampoline_lowered:
0x8: {  	[smem:$0x3FAA] =	sst s0  }
0x9: {  	[smem:$0x3FAB] =	sst s1  }
0xa: {  	[smem:$0x3FAC] =	sst s2  }
0xb: {  	[smem:$0x3FAD] =	sst s3  }
0xc: {  	[smem:$0x3FAE] =	sst s4  }
0xd: {  	[smem:$0x3FAF] =	sst s5  }
0xe: {  	[smem:$0x3FB0] =	sst s6  }
0xf: {  	[smem:$0x3FB1] =	sst s7  }
0x10: {  	[smem:$0x3FB2] =	sst s8  }
0x11: {  	[smem:$0x3FB3] =	sst s9;
	s0 =	simm.s32 @!p0 $0x0  }
0x12: {  	s1 =	sld [smem:$0x3F99];
	s0 =	simm.s32 @p0 $0x1  }
0x13: {  	[smem:$0x3FB4] =	sst s0;
	s0 =	simm.s32 @!p1 $0x0  }
0x14: {  	s2 =	sld [smem:$0x3F98];
	s0 =	simm.s32 @p1 $0x1  }
0x15: {  	[smem:$0x3FB5] =	sst s0;
	s0 =	simm.s32 @!p2 $0x0  }
0x16: {  	s3 =	sld [smem:$0x3FDB];
	s0 =	simm.s32 @p2 $0x1  }
0x17: {  	s4 =	simm.s32 $0x1BF5;
	[smem:$0x3FB7] =	sst s0  }
0x18: {  	s0 =	sld [smem:$0x3F9A];
	_ =	swait.ge [sflag:s4], $0x0  }
0x19: {  	s7 =	sld [smem:$0x3F9B]  }
0x1a: {  	s8 =	sadd.s32 $0xFFFFE003, lr  }
0x1b: {  	s9 =	sadd.s32 $0xFFFFFEF7, lr;
	s5 =	simm.s32 $0xFFFFFFFF;
	p2 =	slt.u32 s8, $0xFFFFF086  }
0x1c: {  	p1 =	slt.u32 s9, $0xF7A;
	s5 =	simm.s32 @!p2 $0x0  }
0x1d: {  	s5 =	simm.s32 @p1 $0x1;
	p0 =	seq.s32 s7, s2  }
0x1e: {  	s7 =	smul.u32 @!p0 $0xF7A, s2;
	p2 =	seq.s32 @!p0 s5, $0x0  }
0x1f: {  	s9 =	smul.u32 $0xF7A, s1;
	s8 =	simm.s32 @!p0 $0x1BF5;
	p2 =	por !p2, p0  }
0x20: {  	[sflag:s8] =	ssyncset.s32 @!p0 $0xFFFFF086;
	s6 =	sadd.s32 @!p0 s3, s7;
	s7 =	simm.s32 @!p0 $0x108  }
0x21: {  	s3 =	sadd.s32 s3, s9;
	s6 =	sadd.s32 @!p0 $0x88, s6;
	s7 =	simm.s32 @p2 $0x1082  }
0x22: {  	[simem:s7], [sflag:s8] =	dma.local @!p0 [hbm:s6], $0xF7A  }
0x23: {  	s9 =	sor.u32 $0xD0000000, s2;
	s6 =	simm.s32 $0x108;
	_ =	swait.ge @!p0 [sflag:s8], $0x0  }
0x24: {  	s3 =	sadd.s32 $0x88, s3;
	s6 =	simm.s32 @!p1 $0x1082;
	[sflag:s4] =	ssyncset.s32 $0xFFFFF086  }
0x25: {  	[simem:s6], [sflag:s4] =	dma.local [hbm:s3], $0xF7A  }
0x26: {  	[smem:$0x3F9B] =	sst s1;
	(tag) =	ssettag s2;
	_ =	strace s9  }
0x27: {  	s1 =	sld [smem:$0x3FAB]  }
0x28: {  	s2 =	sld [smem:$0x3FAC]  }
0x29: {  	s4 =	sld [smem:$0x3FAE]  }
0x2a: {  	p0 =	seq.s32 s5, $0x0;
	s5 =	sld [smem:$0x3FAF]  }
0x2b: {  	s6 =	sld [smem:$0x3FB0]  }
0x2c: {  	s7 =	sld [smem:$0x3FB1]  }
0x2d: {  	s3 =	simm.s32 $0x108;
	s8 =	sld [smem:$0x3FB2]  }
0x2e: {  	s3 =	simm.s32 @!p0 $0x1082;
	s9 =	sld [smem:$0x3FB3]  }
0x2f: {  	lr =	sadd.s32 s0, s3;
	s0 =	sld [smem:$0x3FAA]  }
0x30: {  	s3 =	sld [smem:$0x3FAD]  }
0x31: {  	[smem:$0x3FB6] =	sst s10  }
0x32: {  	s10 =	sld [smem:$0x3FB4];
	_ =	sdelay $0x3  }
0x33: {  	p0 =	seq.s32 s10, $0x1;
	s10 =	sld [smem:$0x3FB6];
	_ =	sdelay $0x3  }
0x34: {  	[smem:$0x3FB6] =	sst s10  }
0x35: {  	s10 =	sld [smem:$0x3FB5];
	_ =	sdelay $0x3  }
0x36: {  	p1 =	seq.s32 s10, $0x1;
	s10 =	sld [smem:$0x3FB6];
	_ =	sdelay $0x3  }
0x37: {  	[smem:$0x3FB6] =	sst s10  }
0x38: {  	s10 =	sld [smem:$0x3FB7]  }
0x39: {  	_ = 	snop;
	(pc) =	sbr.ind lr, $3  }
0x3a: {  	_ = 	snop  }
0x3b: {  	_ = 	snop  }
0x3c: {  	p2 =	seq.s32 s10, $0x1;
	s10 =	sld [smem:$0x3FB6]  }
0x3d: {  	_ =	shalt  }
0x3e: {  	_ =	shalt  }
0x3f: {  	_ =	shalt  }
0x40: {  	_ =	shalt  }
0x41: {  	_ =	shalt  }
0x42: {  	_ =	shalt  }
0x43: {  	_ =	shalt  }
0x44: {  	_ =	shalt  }
0x45: {  	_ =	shalt  }
0x46: {  	_ =	shalt  }
0x47: {  	_ =	shalt  }
0x48: {  	_ =	shalt  }
0x49: {  	_ =	shalt  }
0x4a: {  	_ =	shalt  }
0x4b: {  	_ =	shalt  }
0x4c: {  	_ =	shalt  }
0x4d: {  	_ =	shalt  }
0x4e: {  	_ =	shalt  }
0x4f: {  	_ =	shalt  }
0x50: {  	_ =	shalt  }
0x51: {  	_ =	shalt  }
0x52: {  	_ =	shalt  }
0x53: {  	_ =	shalt  }
0x54: {  	_ =	shalt  }
0x55: {  	_ =	shalt  }
0x56: {  	_ =	shalt  }
0x57: {  	_ =	shalt  }
0x58: {  	_ =	shalt  }
0x59: {  	_ =	shalt  }
0x5a: {  	_ =	shalt  }
0x5b: {  	_ =	shalt  }
0x5c: {  	_ =	shalt  }
0x5d: {  	_ =	shalt  }
0x5e: {  	_ =	shalt  }
0x5f: {  	_ =	shalt  }
0x60: {  	_ =	shalt  }
0x61: {  	_ =	shalt  }
0x62: {  	_ =	shalt  }
0x63: {  	_ =	shalt  }
0x64: {  	_ =	shalt  }
0x65: {  	_ =	shalt  }
0x66: {  	_ =	shalt  }
0x67: {  	_ =	shalt  }
0x68: {  	_ =	shalt  }
0x69: {  	_ =	shalt  }
0x6a: {  	_ =	shalt  }
0x6b: {  	_ =	shalt  }
0x6c: {  	_ =	shalt  }
0x6d: {  	_ =	shalt  }
0x6e: {  	_ =	shalt  }
0x6f: {  	_ =	shalt  }
0x70: {  	_ =	shalt  }
0x71: {  	_ =	shalt  }
0x72: {  	_ =	shalt  }
0x73: {  	_ =	shalt  }
0x74: {  	_ =	shalt  }
0x75: {  	_ =	shalt  }
0x76: {  	_ =	shalt  }
0x77: {  	_ =	shalt  }
0x78: {  	_ =	shalt  }
0x79: {  	_ =	shalt  }
0x7a: {  	_ =	shalt  }
0x7b: {  	_ =	shalt  }
0x7c: {  	_ =	shalt  }
0x7d: {  	_ =	shalt  }
0x7e: {  	_ =	shalt  }
0x7f: {  	_ =	shalt  }
0x80: {  	_ =	shalt  }
0x81: {  	_ =	shalt  }
0x82: {  	_ =	shalt  }
0x83: {  	_ =	shalt  }
0x84: {  	_ =	shalt  }
0x85: {  	_ =	shalt  }
0x86: {  	_ =	shalt  }
0x87: {  	_ =	shalt  }
.Lfunc_end0:
.L_simem_size_0:
called_computation.1_lowered:
.L_overlay_start_0:
0x88: {  	s2 =	sld [smem:$0x3FD9]  }
0x89: {  	s3 =	sld [smem:$0x3FFE];
	_ =	sdelay $0x1  }
0x8a: {  	s1 =	srdreg.scid  }
0x8b: {  	s0 =	sand.u32 $0x1, s1  }
0x8c: {  	s17 =	sshll.u32 s0, $0xA;
	s2 =	sadd.s32 s3, s2  }
0x8d: {  	s2 =	sadd.s32 s2, s17  }
0x8e: {  	[smem:$0x3FC2] =	sst s2  }
0x8f: {  	_ = 	snop  }
0x90: {  	s2 =	sld [smem:$0x3FD0];
	(tm) =	ssettm $0x1  }
0x91: {  	s18 =	sld [smem:$0x3FFB];
	_ =	sdelay $0x3  }
0x92: {  	_ =	strace s18  }
0x93: {  	s3 =	sld [smem:$0x3FFC];
	_ =	sdelay $0x3  }
0x94: {  	_ =	strace s3  }
0x95: {  	s3 =	sld [smem:$0x3FFD];
	_ =	sdelay $0x3  }
0x96: {  	_ =	strace s3  }
0x97: {  	_ =	strace $0x8FFFFFFF  }
0x98: {  	s19 =	sld [smem:$0x3FDB];
	_ =	sdelay $0x1  }
0x99: {  	s4 =	simm.s32 $_scs_section_size  }
0x9a: {  	s5 =	simm.s32 $_size__tile_overlayer_lowered;
	s6 =	simm.s32 $_tile_overlayer_lowered  }
0x9b: {  	s22 =	simm.s32 $0x1BFF;
	s21 =	sshll.u32 s6, $0x1;
	s3 =	sadd.s32 s4, s19  }
0x9c: {  	s7 =	simm.s32 $0x0;
	s20 =	sshll.u32 s5, $0x1;
	s5 =	sadd.s32 s21, s3  }
0x9d: {  	[timem:s7], [sflag:s22] =	dma.local [hbm:s5], s20  }
0x9e: {  	_ =	swait.ge [sflag:s22], s20  }
0x9f: {  	s4 =	ssub.s32 $0x0, s20;
	[sflag:s22] =	ssyncset.done $0x0  }
0xa0: {  	[sflag:s22] =	ssyncadd.s32 s4;
	_ =	sdelay $0x1  }
0xa1: {  	s23 =	simm.s32 $0x1B8B  }
0xa2: {  	_ =	swait.ge [sflag:s23], $0x1  }
0xa3: {  	[sflag:s23] =	ssyncset.done $0x0  }
0xa4: {  	s25 =	simm.s32 $0x1B8E;
	s24 =	sld [smem:$0x3FFE];
	[sflag:s23] =	ssyncadd.s32 $0xFFFFFFFF  }
0xa5: {  	s26 =	simm.s32 $execute0_lowered;
	[smem:$0x3FD2] =	sst s25  }
0xa6: {  	s5 =	sshll.u32 s26, $0x1;
	_ =	strace $0x80000049;
	[dreg:$0x1] =	wrdreg $0xFFFFFFFF  }
0xa7: {  	s28 =	simm.s32 $_size_execute0_lowered;
	s3 =	sadd.s32 s3, s5;
	[dreg:$0x0] =	wrdreg $0x0  }
0xa8: {  	s5 =	sshll.u32 s28, $0x1;
	[dreg:$0x2] =	wrdreg s3  }
0xa9: {  	[dreg:$0x3] =	wrdreg s5  }
0xaa: {  	[dreg:$0x4] =	wrdreg $0xC0  }
0xab: {  	_ =	task [dreg:s7], $0x5FFFF  }
0xac: {  	[dreg:$0x1] =	wrdreg $0xFFFFFFFF  }
0xad: {  	[dreg:$0x0] =	wrdreg $0x60  }
0xae: {  	[dreg:$0x2] =	wrdreg s24  }
0xaf: {  	[dreg:$0x3] =	wrdreg s2  }
0xb0: {  	[dreg:$0x4] =	wrdreg $0x8F000  }
0xb1: {  	[dreg:$0x5] =	wrdreg $0x12F000  }
0xb2: {  	[dreg:$0x6] =	wrdreg $0x9  }
0xb3: {  	_ =	task.clear_ibuf [dreg:s7], $0x7FFFF;
	_ =	strace $0x90000049  }
0xb4: {  	s29 =	simm.s32 $0x9;
	_ =	strace $0x8000004B  }
0xb5: {  	_ =	swait.ge [sflag:s29], $0x1  }
0xb6: {  	[sflag:s29] =	ssyncadd.s32 $0xFFFFFFFF  }
0xb7: {  	_ =	strace $0x9000004B  }
0xb8: {  	_ =	sfence  }
0xb9: {  	s30 =	sld [smem:$0x0];
	_ =	sdelay $0x2  }
0xba: {  	s31 =	sshll.u32 s1, $0xD;
	s1 =	sshrl.u32 s1, $0x2  }
0xbb: {  	s3 =	sand.u32 $0x4000, s31;
	s1 =	sadd.s32 s1, s30  }
0xbc: {  	s0 =	sor.u32 s3, s0;
	s1 =	sshll.u32 s1, $0x11  }
0xbd: {  	s0 =	sor.u32 s1, s0  }
0xbe: {  	s0 =	sadd.s32 $0x8F2B, s0  }
0xbf: {  	[sflag:s0] =	ssyncadd.remote.s32 $0x1  }
0xc0: {  	_ =	sfence.sel $0xFFFF  }
0xc1: {  	[dreg:$0x0] =	wrdreg $0xFFFFFFFF;
	(pc) =	sbr.abs _section_cstart, $3  }
0xc2: {  	[dreg:$0x1] =	wrdreg $0xFFFFFFFF  }
0xc3: {  	_ =	task.clear_ibuf [dreg:s7], $0x2FFFF;
	_ =	strace $0x9FFFFFFF  }
0xc4: {  	(tm) =	ssettm $0x7FFFFFFF  }
0xc5: {  	_ =	shalt  }
tec
execute0_lowered:
.L_overlay_start_1:
0x0: {  	(tag) =	ssettag $0x1  }
0x1: {  	s5 =	rddreg [dreg:$0x0]  }
0x2: {  	s12 =	rddreg [dreg:$0x1]  }
0x3: {  	s1 =	rddreg [dreg:$0x2]  }
0x4: {  	s2 =	rddreg [dreg:$0x3]  }
0x5: {  	s3 =	srdreg.scid;
	s0 =	rddreg [dreg:$0x4];
	s4 =	simm.s32 $0x0  }
0x6: {  	s19 =	simm.s32 $0x2;
	s20 =	simm.s32 $0x6F00;
	s6 =	sand.u32 $0x1, s3  }
0x7: {  	s21 =	simm.s32 $0x2780;
	s3 =	stileid.u32;
	s7 =	smul.u32 $0x14000, s6  }
0x8: {  	s22 =	simm.s32 $0x80;
	s26 =	simm.s32 $0x1;
	s13 =	smul.u32 $0xA000, s3  }
0x9: {  	[smem:$0x7FF] =	sst s4;
	s11 =	sadd.s32 $0x9E00, s12;
	s8 =	smul.u32 $0x28000, s3  }
0xa: {  	s6 =	ssub.s32 $0x2, s6;
	_ =	strace $0x8000004A;
	s9 =	smul.u32 $0x4F00, s3  }
0xb: {  	s31 =	sshll.u32 s3, $0x6;
	s29 =	sshrl.u32 s6, $0x1;
	s14 =	sadd.s32 s7, s5  }
0xc: {  	s15 =	ssub.s32 s6, s29;
	s23 =	sshrl.u32 s13, $0x3;
	s18 =	sadd.s32 s13, s1  }
0xd: {  	s6 =	smul.u32 $0x9E0, s3;
	s7 =	sor.u32 $0x1C02, s31;
	s8 =	sshrl.u32 s8, $0x2  }
0xe: {  	s10 =	sshrl.u32 s9, $0x3;
	s25 =	sadd.s32 s13, s2;
	s30 =	sadd.s32 s23, s14  }
0xf: {  	s8 =	sadd.s32 s8, s2;
	s10 =	sadd.s32 $0x4F0, s10;
	s24 =	sadd.s32 $0xA2400, s14  }
0x10: {  	s13 =	smax.u32 s15, $0x1;
	s18 =	sshrl.u32 s18, $0x3;
	s25 =	sshrl.u32 s25, $0x3  }
0x11: {  	s5 =	sadd.s32 $0x7A400, s30;
	s9 =	sadd.s32 s12, s6;
	s12 =	sadd.s32 s12, s10  }
0x12: {  	s14 =	sadd.s32 $0x2000, s8;
	s15 =	sadd.s32 $0x4000, s8;
	s16 =	sadd.s32 $0x6000, s8  }
0x13: {  	v0 =	vimm.f32 $0.0e+00;
	s17 =	sadd.s32 $0x8000, s8;
	s23 =	sadd.s32 s23, s24;
	s24 =	simm.s32 $0x4F00  }
.LBB2_1:
0x14: {  	s29 =	simm.s32 $0x100;
	s28 =	simm.s32 $0x0  }
.LBB2_2:
0x15: {  	p0 =	sne.s32 s29, $0x7F00;
	[tilespmem:s28+$0x6F30] =	vst v0;
	s30 =	smov.u32 s29;
	s29 =	sadd.s32 $0x100, s29  }
.Ltmp0:
0x16: {  	[tilespmem:s28+$0x6F20] =	vst v0;
	(pc) =	sbr.rel @p0 .LBB2_2-.Ltmp0, $3  }
0x17: {  	[tilespmem:s28+$0x6F00] =	vst v0  }
0x18: {  	[tilespmem:s28+$0x6F10] =	vst v0;
	_ =	sdelay $0x1  }
0x19: {  	s28 =	sshra.s32 s30, $0x2  }
0x1a: {  	[tilespmem:s28+$0x6F30] =	vst v0  }
0x1b: {  	[tilespmem:s28+$0x6F20] =	vst v0  }
0x1c: {  	[tilespmem:s28+$0x6F00] =	vst v0  }
0x1d: {  	[tilespmem:s28+$0x6F10] =	vst v0  }
0x1e: {  	[spmem:s18], [sflag:s7] =	dma.local [hbm:s5], $0x1400  }
0x1f: {  	_ =	swait.ge [sflag:s19], $0x1400  }
0x20: {  	[sflag:s19] =	ssyncset.done $0x0  }
0x21: {  	[sflag:s19] =	ssyncadd.s32 $0xFFFFEC00  }
0x22: {  	[spmem:s8] =	stream.linear.scatter [tilespmem:s20], [sflag:$0x2], $0x2000, $0x38;
	[tilespmem:$0x1CF00] =	vst v63  }
0x23: {  	_ =	swait.ge [sflag:s19], $0x2000  }
0x24: {  	[sflag:s19] =	ssyncset.done $0x0  }
0x25: {  	[sflag:s19] =	ssyncadd.s32 $0xFFFFE000  }
0x26: {  	[spmem:s14] =	stream.linear.scatter [tilespmem:s20], [sflag:$0x2], $0x2000, $0x38;
	[tilespmem:$0x1CF00] =	vst v63  }
0x27: {  	_ =	swait.ge [sflag:s19], $0x2000  }
0x28: {  	[sflag:s19] =	ssyncset.done $0x0  }
0x29: {  	[sflag:s19] =	ssyncadd.s32 $0xFFFFE000  }
0x2a: {  	[spmem:s15] =	stream.linear.scatter [tilespmem:s20], [sflag:$0x2], $0x2000, $0x38;
	[tilespmem:$0x1CF00] =	vst v63  }
0x2b: {  	_ =	swait.ge [sflag:s19], $0x2000  }
0x2c: {  	[sflag:s19] =	ssyncset.done $0x0  }
0x2d: {  	[sflag:s19] =	ssyncadd.s32 $0xFFFFE000  }
0x2e: {  	[spmem:s16] =	stream.linear.scatter [tilespmem:s20], [sflag:$0x2], $0x2000, $0x38;
	[tilespmem:$0x1CF00] =	vst v63  }
0x2f: {  	_ =	swait.ge [sflag:s19], $0x2000  }
0x30: {  	[sflag:s19] =	ssyncset.done $0x0  }
0x31: {  	[sflag:s19] =	ssyncadd.s32 $0xFFFFE000  }
0x32: {  	[spmem:s17] =	stream.linear.scatter [tilespmem:s20], [sflag:$0x2], $0x2000, $0x38;
	[tilespmem:$0x1CF00] =	vst v63  }
0x33: {  	_ =	swait.ge [sflag:s19], $0x2000  }
0x34: {  	[sflag:s19] =	ssyncset.done $0x0  }
0x35: {  	[sflag:s19] =	ssyncadd.s32 $0xFFFFE000  }
0x36: {  	s28 =	simm.s32 $0x0;
	[bflag:$0x0] =	sbarrier.arrive $0xFFFF  }
0x37: {  	[tilespmem:s28], [sflag:$0x2] =	stream.linear.gather [hbm4b:s9+s28], $0x2780, $0x38;
	[tilespmem:$0x1CF00] =	vst v63  }
0x38: {  	_ =	swait.ge [sflag:s19], $0x2780  }
0x39: {  	[sflag:s19] =	ssyncset.done $0x0  }
0x3a: {  	s29 =	sadd.s32 s6, s11;
	[sflag:s19] =	ssyncadd.s32 $0xFFFFD880  }
0x3b: {  	[tilespmem:s21], [sflag:$0x2] =	stream.linear.gather [hbm4b:s29+s28], $0x2780, $0x38;
	[tilespmem:$0x1CF00] =	vst v63  }
0x3c: {  	_ =	swait.ge [sflag:s19], $0x2780  }
0x3d: {  	[sflag:s19] =	ssyncset.done $0x0  }
0x3e: {  	s28 =	simm.s32 $0x0;
	[sflag:s19] =	ssyncadd.s32 $0xFFFFD880  }
0x3f: {  	[tilespmem:s24], [sflag:$0x1] =	stream.indirect.gather [spmem:s1], $0x40, s28, s22, $0xb8;
	[tilespmem:$0x1CF00] =	vst v63  }
0x40: {  	_ =	swait.ge [sflag:s26], $0x2000  }
0x41: {  	[sflag:s26] =	ssyncset.done $0x0  }
0x42: {  	s28 =	simm.s32 $0x2780;
	[sflag:s26] =	ssyncadd.s32 $0xFFFFE000  }
0x43: {  	[spmem:s2] =	stream.indirect.scatter.add.f32 [tilespmem:s24], [sflag:$0x2], $0x40, s28, s22, $0xb8;
	[tilespmem:$0x1CF00] =	vst v63  }
0x44: {  	_ =	swait.ge [sflag:s19], $0x2000  }
0x45: {  	s29 =	simm.s32 $0x400;
	s28 =	simm.s32 $0x200;
	[sflag:s19] =	ssyncset.done $0x0  }
.LBB2_4:
0x46: {  	s30 =	sshra.s32 s28, $0x2  }
0x47: {  	[sflag:s19] =	ssyncadd.s32 $0xFFFFE000;
	s28 =	smov.u32 s29;
	s31 =	sadd.s32 $0x200, s29  }
0x48: {  	[tilespmem:s24], [sflag:$0x1] =	stream.indirect.gather [spmem:s1], $0x40, s30, s22, $0xb8;
	[tilespmem:$0x1CF00] =	vst v63  }
0x49: {  	p0 =	sne.s32 s29, $0x9C00;
	_ =	swait.ge [sflag:s26], $0x2000  }
.Ltmp1:
0x4a: {  	[sflag:s26] =	ssyncset.done $0x0;
	(pc) =	sbr.rel @p0 .LBB2_4-.Ltmp1, $4  }
0x4b: {  	s29 =	sadd.s32 $0x2780, s30;
	[sflag:s26] =	ssyncadd.s32 $0xFFFFE000  }
0x4c: {  	[spmem:s2] =	stream.indirect.scatter.add.f32 [tilespmem:s24], [sflag:$0x2], $0x40, s29, s22, $0xb8;
	[tilespmem:$0x1CF00] =	vst v63  }
0x4d: {  	_ =	swait.ge [sflag:s19], $0x2000  }
0x4e: {  	s29 =	smov.u32 s31;
	[sflag:s19] =	ssyncset.done $0x0  }
0x4f: {  	s28 =	sshra.s32 s28, $0x2;
	[sflag:s19] =	ssyncadd.s32 $0xFFFFE000  }
0x50: {  	[tilespmem:s24], [sflag:$0x1] =	stream.indirect.gather [spmem:s1], $0x40, s28, s22, $0xb8;
	[tilespmem:$0x1CF00] =	vst v63  }
0x51: {  	_ =	swait.ge [sflag:s26], $0x2000  }
0x52: {  	[sflag:s26] =	ssyncset.done $0x0  }
0x53: {  	s28 =	sadd.s32 $0x2780, s28;
	[sflag:s26] =	ssyncadd.s32 $0xFFFFE000  }
0x54: {  	[spmem:s2] =	stream.indirect.scatter.add.f32 [tilespmem:s24], [sflag:$0x2], $0x40, s28, s22, $0xb8;
	[tilespmem:$0x1CF00] =	vst v63  }
0x55: {  	_ =	swait.ge [sflag:s19], $0x2000  }
0x56: {  	[sflag:s19] =	ssyncset.done $0x0  }
0x57: {  	s28 =	simm.s32 $0x0;
	[sflag:s19] =	ssyncadd.s32 $0xFFFFE000  }
0x58: {  	[tilespmem:s28], [sflag:$0x2] =	stream.linear.gather [hbm4b:s12+s28], $0x2780, $0x38;
	[tilespmem:$0x1CF00] =	vst v63  }
0x59: {  	_ =	swait.ge [sflag:s19], $0x2780  }
0x5a: {  	[sflag:s19] =	ssyncset.done $0x0  }
0x5b: {  	s29 =	sadd.s32 s10, s11;
	[sflag:s19] =	ssyncadd.s32 $0xFFFFD880  }
0x5c: {  	[tilespmem:s21], [sflag:$0x2] =	stream.linear.gather [hbm4b:s29+s28], $0x2780, $0x38;
	[tilespmem:$0x1CF00] =	vst v63  }
0x5d: {  	_ =	swait.ge [sflag:s19], $0x2780  }
0x5e: {  	[sflag:s19] =	ssyncset.done $0x0  }
0x5f: {  	s28 =	simm.s32 $0x0;
	[sflag:s19] =	ssyncadd.s32 $0xFFFFD880  }
0x60: {  	[tilespmem:s24], [sflag:$0x1] =	stream.indirect.gather [spmem:s1], $0x40, s28, s22, $0xb8;
	[tilespmem:$0x1CF00] =	vst v63  }
0x61: {  	_ =	swait.ge [sflag:s26], $0x2000  }
0x62: {  	[sflag:s26] =	ssyncset.done $0x0  }
0x63: {  	s28 =	simm.s32 $0x2780;
	[sflag:s26] =	ssyncadd.s32 $0xFFFFE000  }
0x64: {  	[spmem:s2] =	stream.indirect.scatter.add.f32 [tilespmem:s24], [sflag:$0x2], $0x40, s28, s22, $0xb8;
	[tilespmem:$0x1CF00] =	vst v63  }
0x65: {  	_ =	swait.ge [sflag:s19], $0x2000  }
0x66: {  	s29 =	simm.s32 $0x400;
	s28 =	simm.s32 $0x200;
	[sflag:s19] =	ssyncset.done $0x0  }
.LBB2_6:
0x67: {  	s30 =	sshra.s32 s28, $0x2  }
0x68: {  	[sflag:s19] =	ssyncadd.s32 $0xFFFFE000;
	s28 =	smov.u32 s29;
	s31 =	sadd.s32 $0x200, s29  }
0x69: {  	[tilespmem:s24], [sflag:$0x1] =	stream.indirect.gather [spmem:s1], $0x40, s30, s22, $0xb8;
	[tilespmem:$0x1CF00] =	vst v63  }
0x6a: {  	p0 =	sne.s32 s29, $0x9C00;
	_ =	swait.ge [sflag:s26], $0x2000  }
.Ltmp2:
0x6b: {  	[sflag:s26] =	ssyncset.done $0x0;
	(pc) =	sbr.rel @p0 .LBB2_6-.Ltmp2, $4  }
0x6c: {  	s29 =	sadd.s32 $0x2780, s30;
	[sflag:s26] =	ssyncadd.s32 $0xFFFFE000  }
0x6d: {  	[spmem:s2] =	stream.indirect.scatter.add.f32 [tilespmem:s24], [sflag:$0x2], $0x40, s29, s22, $0xb8;
	[tilespmem:$0x1CF00] =	vst v63  }
0x6e: {  	_ =	swait.ge [sflag:s19], $0x2000  }
0x6f: {  	s29 =	smov.u32 s31;
	[sflag:s19] =	ssyncset.done $0x0  }
0x70: {  	s28 =	sshra.s32 s28, $0x2;
	[sflag:s19] =	ssyncadd.s32 $0xFFFFE000  }
0x71: {  	[tilespmem:s24], [sflag:$0x1] =	stream.indirect.gather [spmem:s1], $0x40, s28, s22, $0xb8;
	[tilespmem:$0x1CF00] =	vst v63  }
0x72: {  	_ =	swait.ge [sflag:s26], $0x2000  }
0x73: {  	[sflag:s26] =	ssyncset.done $0x0  }
0x74: {  	s28 =	sadd.s32 $0x2780, s28;
	[sflag:s26] =	ssyncadd.s32 $0xFFFFE000  }
0x75: {  	[spmem:s2] =	stream.indirect.scatter.add.f32 [tilespmem:s24], [sflag:$0x2], $0x40, s28, s22, $0xb8;
	[tilespmem:$0x1CF00] =	vst v63  }
0x76: {  	_ =	swait.ge [sflag:s19], $0x2000  }
0x77: {  	s4 =	sadd.s32 $0x1, s4;
	[sflag:s19] =	ssyncset.done $0x0  }
0x78: {  	p0 =	sne.s32 s4, s13;
	[sflag:s19] =	ssyncadd.s32 $0xFFFFE000  }
.Ltmp3:
0x79: {  	[bflag:$0x0] =	sbarrier.arrive $0xFFFF;
	(pc) =	sbr.rel @p0 .LBB2_1-.Ltmp3, $4  }
0x7a: {  	[hbm:s23], [sflag:s7] =	dma.local [spmem:s25], $0x1400  }
0x7b: {  	_ =	swait.ge [sflag:s19], $0x1400  }
0x7c: {  	[sflag:s19] =	ssyncset.done $0x0  }
0x7d: {  	[sflag:s19] =	ssyncadd.s32 $0xFFFFEC00  }
0x7e: {  	_ =	sfence.sel $0x180000  }
0x7f: {  	[bflag:$0x0] =	sbarrier.arrive $0xFFFF  }
0x80: {  	p0 =	sne.s32 s3, $0x0;
	_ =	strace $0x9000004A  }
0x81: {  	s0 =	sadd.s32 @!p0 $0x100000, s0;
	[bflag:$0x2] =	sbarrier.arrive $0xFFFF  }
0x82: {  	[sflag:s0] =	ssyncadd.tile.s32 @!p0 $0x1;
	_ =	shalt  }
.Lfunc_end2:
_tile_overlayer_lowered:
.L_overlay_start_2:
0x83: {  	(tag) =	ssettag $0x2  }
0x84: {  	s0 =	rddreg [dreg:$0x0];
	s2 =	stileid.u32  }
0x85: {  	s1 =	rddreg [dreg:$0x1];
	p0 =	sne.s32 s2, $0x0  }
0x86: {  	s3 =	rddreg [dreg:$0x2];
	[bflag:$0x3] =	sbarrier.arrive $0xFFFF;
	s2 =	simm.s32 @!p0 $0x1C02  }
0x87: {  	[timem:s3], [sflag:s2] =	dma.local @!p0 [hbm:s0], s1  }
0x88: {  	s0 =	simm.s32 @!p0 $0x2  }
0x89: {  	_ =	swait.ge @!p0 [sflag:s0], s1  }
0x8a: {  	s1 =	ssub.s32 @!p0 $0x0, s1;
	[sflag:s0] =	ssyncset.done @!p0 $0x0  }
0x8b: {  	[sflag:s0] =	ssyncadd.s32 @!p0 s1  }
0x8c: {  	[bflag:$0x3] =	sbarrier.arrive $0xFFFF  }
0x8d: {  	_ =	shalt  }

// kernel: kernel.14.cloned.1.call-start
scs
__scs_entry_jumppad:
0x0: {  	(pc) =	sbr.rel $0x88, $3  }
0x1: {  	(tag) =	ssettag $0x0;
	lr =	simm.s32 $0x1  }
0x2: {  	[smem:$0x3F9B] =	sst lr;
	_ =	strace $0xD0000000  }
0x3: {  	_ = 	snop  }
0x4: {  	_ = 	snop  }
0x5: {  	_ = 	snop  }
0x6: {  	_ = 	snop  }
0x7: {  	_ = 	snop  }
__scs_overlays_trampoline_lowered:
0x8: {  	[smem:$0x3FAA] =	sst s0  }
0x9: {  	[smem:$0x3FAB] =	sst s1  }
0xa: {  	[smem:$0x3FAC] =	sst s2  }
0xb: {  	[smem:$0x3FAD] =	sst s3  }
0xc: {  	[smem:$0x3FAE] =	sst s4  }
0xd: {  	[smem:$0x3FAF] =	sst s5  }
0xe: {  	[smem:$0x3FB0] =	sst s6  }
0xf: {  	[smem:$0x3FB1] =	sst s7  }
0x10: {  	[smem:$0x3FB2] =	sst s8  }
0x11: {  	[smem:$0x3FB3] =	sst s9;
	s0 =	simm.s32 @!p0 $0x0  }
0x12: {  	s1 =	sld [smem:$0x3F99];
	s0 =	simm.s32 @p0 $0x1  }
0x13: {  	[smem:$0x3FB4] =	sst s0;
	s0 =	simm.s32 @!p1 $0x0  }
0x14: {  	s2 =	sld [smem:$0x3F98];
	s0 =	simm.s32 @p1 $0x1  }
0x15: {  	[smem:$0x3FB5] =	sst s0;
	s0 =	simm.s32 @!p2 $0x0  }
0x16: {  	s3 =	sld [smem:$0x3FDB];
	s0 =	simm.s32 @p2 $0x1  }
0x17: {  	s4 =	simm.s32 $0x1BF5;
	[smem:$0x3FB7] =	sst s0  }
0x18: {  	s0 =	sld [smem:$0x3F9A];
	_ =	swait.ge [sflag:s4], $0x0  }
0x19: {  	s7 =	sld [smem:$0x3F9B]  }
0x1a: {  	s8 =	sadd.s32 $0xFFFFE003, lr  }
0x1b: {  	s9 =	sadd.s32 $0xFFFFFEF7, lr;
	s5 =	simm.s32 $0xFFFFFFFF;
	p2 =	slt.u32 s8, $0xFFFFF086  }
0x1c: {  	p1 =	slt.u32 s9, $0xF7A;
	s5 =	simm.s32 @!p2 $0x0  }
0x1d: {  	s5 =	simm.s32 @p1 $0x1;
	p0 =	seq.s32 s7, s2  }
0x1e: {  	s7 =	smul.u32 @!p0 $0xF7A, s2;
	p2 =	seq.s32 @!p0 s5, $0x0  }
0x1f: {  	s9 =	smul.u32 $0xF7A, s1;
	s8 =	simm.s32 @!p0 $0x1BF5;
	p2 =	por !p2, p0  }
0x20: {  	[sflag:s8] =	ssyncset.s32 @!p0 $0xFFFFF086;
	s6 =	sadd.s32 @!p0 s3, s7;
	s7 =	simm.s32 @!p0 $0x108  }
0x21: {  	s3 =	sadd.s32 s3, s9;
	s6 =	sadd.s32 @!p0 $0x88, s6;
	s7 =	simm.s32 @p2 $0x1082  }
0x22: {  	[simem:s7], [sflag:s8] =	dma.local @!p0 [hbm:s6], $0xF7A  }
0x23: {  	s9 =	sor.u32 $0xD0000000, s2;
	s6 =	simm.s32 $0x108;
	_ =	swait.ge @!p0 [sflag:s8], $0x0  }
0x24: {  	s3 =	sadd.s32 $0x88, s3;
	s6 =	simm.s32 @!p1 $0x1082;
	[sflag:s4] =	ssyncset.s32 $0xFFFFF086  }
0x25: {  	[simem:s6], [sflag:s4] =	dma.local [hbm:s3], $0xF7A  }
0x26: {  	[smem:$0x3F9B] =	sst s1;
	(tag) =	ssettag s2;
	_ =	strace s9  }
0x27: {  	s1 =	sld [smem:$0x3FAB]  }
0x28: {  	s2 =	sld [smem:$0x3FAC]  }
0x29: {  	s4 =	sld [smem:$0x3FAE]  }
0x2a: {  	p0 =	seq.s32 s5, $0x0;
	s5 =	sld [smem:$0x3FAF]  }
0x2b: {  	s6 =	sld [smem:$0x3FB0]  }
0x2c: {  	s7 =	sld [smem:$0x3FB1]  }
0x2d: {  	s3 =	simm.s32 $0x108;
	s8 =	sld [smem:$0x3FB2]  }
0x2e: {  	s3 =	simm.s32 @!p0 $0x1082;
	s9 =	sld [smem:$0x3FB3]  }
0x2f: {  	lr =	sadd.s32 s0, s3;
	s0 =	sld [smem:$0x3FAA]  }
0x30: {  	s3 =	sld [smem:$0x3FAD]  }
0x31: {  	[smem:$0x3FB6] =	sst s10  }
0x32: {  	s10 =	sld [smem:$0x3FB4];
	_ =	sdelay $0x3  }
0x33: {  	p0 =	seq.s32 s10, $0x1;
	s10 =	sld [smem:$0x3FB6];
	_ =	sdelay $0x3  }
0x34: {  	[smem:$0x3FB6] =	sst s10  }
0x35: {  	s10 =	sld [smem:$0x3FB5];
	_ =	sdelay $0x3  }
0x36: {  	p1 =	seq.s32 s10, $0x1;
	s10 =	sld [smem:$0x3FB6];
	_ =	sdelay $0x3  }
0x37: {  	[smem:$0x3FB6] =	sst s10  }
0x38: {  	s10 =	sld [smem:$0x3FB7]  }
0x39: {  	_ = 	snop;
	(pc) =	sbr.ind lr, $3  }
0x3a: {  	_ = 	snop  }
0x3b: {  	_ = 	snop  }
0x3c: {  	p2 =	seq.s32 s10, $0x1;
	s10 =	sld [smem:$0x3FB6]  }
0x3d: {  	_ =	shalt  }
0x3e: {  	_ =	shalt  }
0x3f: {  	_ =	shalt  }
0x40: {  	_ =	shalt  }
0x41: {  	_ =	shalt  }
0x42: {  	_ =	shalt  }
0x43: {  	_ =	shalt  }
0x44: {  	_ =	shalt  }
0x45: {  	_ =	shalt  }
0x46: {  	_ =	shalt  }
0x47: {  	_ =	shalt  }
0x48: {  	_ =	shalt  }
0x49: {  	_ =	shalt  }
0x4a: {  	_ =	shalt  }
0x4b: {  	_ =	shalt  }
0x4c: {  	_ =	shalt  }
0x4d: {  	_ =	shalt  }
0x4e: {  	_ =	shalt  }
0x4f: {  	_ =	shalt  }
0x50: {  	_ =	shalt  }
0x51: {  	_ =	shalt  }
0x52: {  	_ =	shalt  }
0x53: {  	_ =	shalt  }
0x54: {  	_ =	shalt  }
0x55: {  	_ =	shalt  }
0x56: {  	_ =	shalt  }
0x57: {  	_ =	shalt  }
0x58: {  	_ =	shalt  }
0x59: {  	_ =	shalt  }
0x5a: {  	_ =	shalt  }
0x5b: {  	_ =	shalt  }
0x5c: {  	_ =	shalt  }
0x5d: {  	_ =	shalt  }
0x5e: {  	_ =	shalt  }
0x5f: {  	_ =	shalt  }
0x60: {  	_ =	shalt  }
0x61: {  	_ =	shalt  }
0x62: {  	_ =	shalt  }
0x63: {  	_ =	shalt  }
0x64: {  	_ =	shalt  }
0x65: {  	_ =	shalt  }
0x66: {  	_ =	shalt  }
0x67: {  	_ =	shalt  }
0x68: {  	_ =	shalt  }
0x69: {  	_ =	shalt  }
0x6a: {  	_ =	shalt  }
0x6b: {  	_ =	shalt  }
0x6c: {  	_ =	shalt  }
0x6d: {  	_ =	shalt  }
0x6e: {  	_ =	shalt  }
0x6f: {  	_ =	shalt  }
0x70: {  	_ =	shalt  }
0x71: {  	_ =	shalt  }
0x72: {  	_ =	shalt  }
0x73: {  	_ =	shalt  }
0x74: {  	_ =	shalt  }
0x75: {  	_ =	shalt  }
0x76: {  	_ =	shalt  }
0x77: {  	_ =	shalt  }
0x78: {  	_ =	shalt  }
0x79: {  	_ =	shalt  }
0x7a: {  	_ =	shalt  }
0x7b: {  	_ =	shalt  }
0x7c: {  	_ =	shalt  }
0x7d: {  	_ =	shalt  }
0x7e: {  	_ =	shalt  }
0x7f: {  	_ =	shalt  }
0x80: {  	_ =	shalt  }
0x81: {  	_ =	shalt  }
0x82: {  	_ =	shalt  }
0x83: {  	_ =	shalt  }
0x84: {  	_ =	shalt  }
0x85: {  	_ =	shalt  }
0x86: {  	_ =	shalt  }
0x87: {  	_ =	shalt  }
.Lfunc_end0:
.L_simem_size_0:
called_computation.2_lowered:
.L_overlay_start_0:
0x88: {  	s2 =	sld [smem:$0x3FD9]  }
0x89: {  	s3 =	sld [smem:$0x3FFE];
	_ =	sdelay $0x1  }
0x8a: {  	s1 =	srdreg.scid  }
0x8b: {  	s0 =	sand.u32 $0x1, s1  }
0x8c: {  	s17 =	sshll.u32 s0, $0xA;
	s2 =	sadd.s32 s3, s2  }
0x8d: {  	s2 =	sadd.s32 s2, s17  }
0x8e: {  	[smem:$0x3FC2] =	sst s2  }
0x8f: {  	_ = 	snop  }
0x90: {  	s2 =	sld [smem:$0x3FD0];
	(tm) =	ssettm $0x1  }
0x91: {  	s18 =	sld [smem:$0x3FFB];
	_ =	sdelay $0x3  }
0x92: {  	_ =	strace s18  }
0x93: {  	s3 =	sld [smem:$0x3FFC];
	_ =	sdelay $0x3  }
0x94: {  	_ =	strace s3  }
0x95: {  	s3 =	sld [smem:$0x3FFD];
	_ =	sdelay $0x3  }
0x96: {  	_ =	strace s3  }
0x97: {  	_ =	strace $0x8FFFFFFF  }
0x98: {  	s19 =	sld [smem:$0x3FDB];
	_ =	sdelay $0x1  }
0x99: {  	s4 =	simm.s32 $_scs_section_size  }
0x9a: {  	s5 =	simm.s32 $_size__tile_overlayer_lowered;
	s6 =	simm.s32 $_tile_overlayer_lowered  }
0x9b: {  	s22 =	simm.s32 $0x1BFF;
	s21 =	sshll.u32 s6, $0x1;
	s3 =	sadd.s32 s4, s19  }
0x9c: {  	s7 =	simm.s32 $0x0;
	s20 =	sshll.u32 s5, $0x1;
	s5 =	sadd.s32 s21, s3  }
0x9d: {  	[timem:s7], [sflag:s22] =	dma.local [hbm:s5], s20  }
0x9e: {  	_ =	swait.ge [sflag:s22], s20  }
0x9f: {  	s4 =	ssub.s32 $0x0, s20;
	[sflag:s22] =	ssyncset.done $0x0  }
0xa0: {  	[sflag:s22] =	ssyncadd.s32 s4;
	_ =	sdelay $0x1  }
0xa1: {  	s23 =	simm.s32 $0x1B8B  }
0xa2: {  	_ =	swait.ge [sflag:s23], $0x1  }
0xa3: {  	[sflag:s23] =	ssyncset.done $0x0  }
0xa4: {  	s25 =	simm.s32 $0x1B8E;
	s24 =	sld [smem:$0x3FFE];
	[sflag:s23] =	ssyncadd.s32 $0xFFFFFFFF  }
0xa5: {  	s26 =	simm.s32 $execute0_lowered;
	[smem:$0x3FD2] =	sst s25  }
0xa6: {  	s5 =	sshll.u32 s26, $0x1;
	_ =	strace $0x8000004C;
	[dreg:$0x1] =	wrdreg $0xFFFFFFFF  }
0xa7: {  	s28 =	simm.s32 $_size_execute0_lowered;
	s3 =	sadd.s32 s3, s5;
	[dreg:$0x0] =	wrdreg $0x0  }
0xa8: {  	s5 =	sshll.u32 s28, $0x1;
	[dreg:$0x2] =	wrdreg s3  }
0xa9: {  	[dreg:$0x3] =	wrdreg s5  }
0xaa: {  	[dreg:$0x4] =	wrdreg $0xC0  }
0xab: {  	_ =	task [dreg:s7], $0x5FFFF  }
0xac: {  	[dreg:$0x1] =	wrdreg $0xFFFFFFFF  }
0xad: {  	[dreg:$0x0] =	wrdreg $0x60  }
0xae: {  	[dreg:$0x2] =	wrdreg s24  }
0xaf: {  	[dreg:$0x3] =	wrdreg s2  }
0xb0: {  	[dreg:$0x4] =	wrdreg $0x8F000  }
0xb1: {  	[dreg:$0x5] =	wrdreg $0x12F000  }
0xb2: {  	[dreg:$0x6] =	wrdreg $0x9  }
0xb3: {  	_ =	task.clear_ibuf [dreg:s7], $0x7FFFF;
	_ =	strace $0x9000004C  }
0xb4: {  	s29 =	simm.s32 $0x9;
	_ =	strace $0x8000004E  }
0xb5: {  	_ =	swait.ge [sflag:s29], $0x1  }
0xb6: {  	[sflag:s29] =	ssyncadd.s32 $0xFFFFFFFF  }
0xb7: {  	_ =	strace $0x9000004E  }
0xb8: {  	_ =	sfence  }
0xb9: {  	s30 =	sld [smem:$0x0];
	_ =	sdelay $0x2  }
0xba: {  	s31 =	sshll.u32 s1, $0xD;
	s1 =	sshrl.u32 s1, $0x2  }
0xbb: {  	s3 =	sand.u32 $0x4000, s31;
	s1 =	sadd.s32 s1, s30  }
0xbc: {  	s0 =	sor.u32 s3, s0;
	s1 =	sshll.u32 s1, $0x11  }
0xbd: {  	s0 =	sor.u32 s1, s0  }
0xbe: {  	s0 =	sadd.s32 $0x8F2B, s0  }
0xbf: {  	[sflag:s0] =	ssyncadd.remote.s32 $0x1  }
0xc0: {  	_ =	sfence.sel $0xFFFF  }
0xc1: {  	[dreg:$0x0] =	wrdreg $0xFFFFFFFF;
	(pc) =	sbr.abs _section_cstart, $3  }
0xc2: {  	[dreg:$0x1] =	wrdreg $0xFFFFFFFF  }
0xc3: {  	_ =	task.clear_ibuf [dreg:s7], $0x2FFFF;
	_ =	strace $0x9FFFFFFF  }
0xc4: {  	(tm) =	ssettm $0x7FFFFFFF  }
0xc5: {  	_ =	shalt  }
tec
execute0_lowered:
.L_overlay_start_1:
0x0: {  	(tag) =	ssettag $0x1  }
0x1: {  	s5 =	rddreg [dreg:$0x0]  }
0x2: {  	s6 =	rddreg [dreg:$0x1]  }
0x3: {  	s1 =	rddreg [dreg:$0x2]  }
0x4: {  	s3 =	rddreg [dreg:$0x3]  }
0x5: {  	s0 =	rddreg [dreg:$0x4];
	s4 =	simm.s32 $0x0;
	s2 =	stileid.u32  }
0x6: {  	s7 =	srdreg.scid;
	s13 =	simm.s32 $0x2;
	s18 =	simm.s32 $0x6F00  }
0x7: {  	s19 =	simm.s32 $0x80;
	s20 =	simm.s32 $0x4F00;
	s21 =	simm.s32 $0x1  }
0x8: {  	[smem:$0x7FF] =	sst s4;
	s8 =	smul.u32 $0xA000, s2;
	s7 =	sand.u32 $0x1, s7  }
0x9: {  	s9 =	sshll.u32 s2, $0x1;
	s30 =	smul.u32 $0x28000, s2;
	s15 =	sadd.s32 $0x9E00, s6  }
0xa: {  	s16 =	sshll.u32 s2, $0x6;
	_ =	strace $0x8000004D;
	s10 =	smul.u32 $0x14000, s7  }
0xb: {  	s9 =	sor.u32 s7, s9;
	s7 =	ssub.s32 $0x2, s7;
	s16 =	sor.u32 $0x1C02, s16  }
0xc: {  	s22 =	sshrl.u32 s8, $0x3;
	s14 =	smul.u32 $0x4F0, s9;
	s29 =	sshrl.u32 s7, $0x1  }
0xd: {  	s17 =	sadd.s32 s8, s1;
	s31 =	sshrl.u32 s30, $0x2;
	s24 =	sadd.s32 s8, s3  }
0xe: {  	s11 =	sadd.s32 s22, s5;
	s28 =	sadd.s32 s10, s5;
	s12 =	ssub.s32 s7, s29  }
0xf: {  	s7 =	sadd.s32 s31, s3;
	s17 =	sshrl.u32 s17, $0x3;
	s5 =	sadd.s32 s6, s14  }
0x10: {  	s6 =	sadd.s32 $0x2400, s11;
	s23 =	sadd.s32 $0x16400, s28;
	s8 =	smax.u32 s12, $0x1  }
0x11: {  	s9 =	sadd.s32 $0x2000, s7;
	s10 =	sadd.s32 $0x4000, s7;
	s11 =	sadd.s32 $0x6000, s7  }
0x12: {  	s12 =	sadd.s32 $0x8000, s7;
	s14 =	sadd.s32 s14, s15;
	s15 =	simm.s32 $0x2780  }
0x13: {  	v0 =	vimm.f32 $0.0e+00;
	s22 =	sadd.s32 s22, s23;
	s23 =	sshrl.u32 s24, $0x3;
	s24 =	simm.s32 $0x0  }
.LBB2_1:
0x14: {  	[tilespmem:s4], [sflag:$0x2] =	stream.linear.gather [hbm4b:s5+s4], $0x2780, $0x38;
	[tilespmem:$0x1CF00] =	vst v63  }
0x15: {  	_ =	swait.ge [sflag:s13], $0x2780  }
0x16: {  	[sflag:s13] =	ssyncset.done $0x0  }
0x17: {  	[sflag:s13] =	ssyncadd.s32 $0xFFFFD880  }
0x18: {  	[tilespmem:s15], [sflag:$0x2] =	stream.linear.gather [hbm4b:s14+s4], $0x2780, $0x38;
	[tilespmem:$0x1CF00] =	vst v63  }
0x19: {  	_ =	swait.ge [sflag:s13], $0x2780  }
0x1a: {  	[sflag:s13] =	ssyncset.done $0x0  }
0x1b: {  	s26 =	simm.s32 $0x100;
	s25 =	simm.s32 $0x0;
	[sflag:s13] =	ssyncadd.s32 $0xFFFFD880  }
.LBB2_2:
0x1c: {  	p0 =	sne.s32 s26, $0x7F00;
	[tilespmem:s25+$0x6F30] =	vst v0;
	s28 =	smov.u32 s26;
	s26 =	sadd.s32 $0x100, s26  }
.Ltmp0:
0x1d: {  	[tilespmem:s25+$0x6F20] =	vst v0;
	(pc) =	sbr.rel @p0 .LBB2_2-.Ltmp0, $3  }
0x1e: {  	[tilespmem:s25+$0x6F00] =	vst v0  }
0x1f: {  	[tilespmem:s25+$0x6F10] =	vst v0;
	_ =	sdelay $0x1  }
0x20: {  	s25 =	sshra.s32 s28, $0x2  }
0x21: {  	[tilespmem:s25+$0x6F30] =	vst v0  }
0x22: {  	[tilespmem:s25+$0x6F20] =	vst v0  }
0x23: {  	[tilespmem:s25+$0x6F00] =	vst v0  }
0x24: {  	[tilespmem:s25+$0x6F10] =	vst v0  }
0x25: {  	[spmem:s17], [sflag:s16] =	dma.local [hbm:s6], $0x1400  }
0x26: {  	_ =	swait.ge [sflag:s13], $0x1400  }
0x27: {  	[sflag:s13] =	ssyncset.done $0x0  }
0x28: {  	[sflag:s13] =	ssyncadd.s32 $0xFFFFEC00  }
0x29: {  	[spmem:s7] =	stream.linear.scatter [tilespmem:s18], [sflag:$0x2], $0x2000, $0x38;
	[tilespmem:$0x1CF00] =	vst v63  }
0x2a: {  	_ =	swait.ge [sflag:s13], $0x2000  }
0x2b: {  	[sflag:s13] =	ssyncset.done $0x0  }
0x2c: {  	[sflag:s13] =	ssyncadd.s32 $0xFFFFE000  }
0x2d: {  	[spmem:s9] =	stream.linear.scatter [tilespmem:s18], [sflag:$0x2], $0x2000, $0x38;
	[tilespmem:$0x1CF00] =	vst v63  }
0x2e: {  	_ =	swait.ge [sflag:s13], $0x2000  }
0x2f: {  	[sflag:s13] =	ssyncset.done $0x0  }
0x30: {  	[sflag:s13] =	ssyncadd.s32 $0xFFFFE000  }
0x31: {  	[spmem:s10] =	stream.linear.scatter [tilespmem:s18], [sflag:$0x2], $0x2000, $0x38;
	[tilespmem:$0x1CF00] =	vst v63  }
0x32: {  	_ =	swait.ge [sflag:s13], $0x2000  }
0x33: {  	[sflag:s13] =	ssyncset.done $0x0  }
0x34: {  	[sflag:s13] =	ssyncadd.s32 $0xFFFFE000  }
0x35: {  	[spmem:s11] =	stream.linear.scatter [tilespmem:s18], [sflag:$0x2], $0x2000, $0x38;
	[tilespmem:$0x1CF00] =	vst v63  }
0x36: {  	_ =	swait.ge [sflag:s13], $0x2000  }
0x37: {  	[sflag:s13] =	ssyncset.done $0x0  }
0x38: {  	[sflag:s13] =	ssyncadd.s32 $0xFFFFE000  }
0x39: {  	[spmem:s12] =	stream.linear.scatter [tilespmem:s18], [sflag:$0x2], $0x2000, $0x38;
	[tilespmem:$0x1CF00] =	vst v63  }
0x3a: {  	_ =	swait.ge [sflag:s13], $0x2000  }
0x3b: {  	[sflag:s13] =	ssyncset.done $0x0  }
0x3c: {  	[sflag:s13] =	ssyncadd.s32 $0xFFFFE000  }
0x3d: {  	s30 =	simm.s32 $0x0;
	[bflag:$0x0] =	sbarrier.arrive $0xFFFF  }
0x3e: {  	[tilespmem:s20], [sflag:$0x1] =	stream.indirect.gather [spmem:s1], $0x40, s30, s19, $0xb8;
	[tilespmem:$0x1CF00] =	vst v63  }
0x3f: {  	_ =	swait.ge [sflag:s21], $0x2000  }
0x40: {  	[sflag:s21] =	ssyncset.done $0x0  }
0x41: {  	s31 =	simm.s32 $0x2780;
	[sflag:s21] =	ssyncadd.s32 $0xFFFFE000  }
0x42: {  	[spmem:s3] =	stream.indirect.scatter.add.f32 [tilespmem:s20], [sflag:$0x2], $0x40, s31, s19, $0xb8;
	[tilespmem:$0x1CF00] =	vst v63  }
0x43: {  	_ =	swait.ge [sflag:s13], $0x2000  }
0x44: {  	s25 =	simm.s32 $0x200;
	s26 =	simm.s32 $0x400;
	[sflag:s13] =	ssyncset.done $0x0  }
.LBB2_4:
0x45: {  	s28 =	sshra.s32 s25, $0x2  }
0x46: {  	[sflag:s13] =	ssyncadd.s32 $0xFFFFE000;
	s25 =	smov.u32 s26;
	s29 =	sadd.s32 $0x200, s26  }
0x47: {  	[tilespmem:s20], [sflag:$0x1] =	stream.indirect.gather [spmem:s1], $0x40, s28, s19, $0xb8;
	[tilespmem:$0x1CF00] =	vst v63  }
0x48: {  	p0 =	sne.s32 s26, $0x9C00;
	_ =	swait.ge [sflag:s21], $0x2000  }
.Ltmp1:
0x49: {  	[sflag:s21] =	ssyncset.done $0x0;
	(pc) =	sbr.rel @p0 .LBB2_4-.Ltmp1, $4  }
0x4a: {  	s26 =	sadd.s32 $0x2780, s28;
	[sflag:s21] =	ssyncadd.s32 $0xFFFFE000  }
0x4b: {  	[spmem:s3] =	stream.indirect.scatter.add.f32 [tilespmem:s20], [sflag:$0x2], $0x40, s26, s19, $0xb8;
	[tilespmem:$0x1CF00] =	vst v63  }
0x4c: {  	_ =	swait.ge [sflag:s13], $0x2000  }
0x4d: {  	s26 =	smov.u32 s29;
	[sflag:s13] =	ssyncset.done $0x0  }
0x4e: {  	s25 =	sshra.s32 s25, $0x2;
	[sflag:s13] =	ssyncadd.s32 $0xFFFFE000  }
0x4f: {  	[tilespmem:s20], [sflag:$0x1] =	stream.indirect.gather [spmem:s1], $0x40, s25, s19, $0xb8;
	[tilespmem:$0x1CF00] =	vst v63  }
0x50: {  	_ =	swait.ge [sflag:s21], $0x2000  }
0x51: {  	[sflag:s21] =	ssyncset.done $0x0  }
0x52: {  	s25 =	sadd.s32 $0x2780, s25;
	[sflag:s21] =	ssyncadd.s32 $0xFFFFE000  }
0x53: {  	[spmem:s3] =	stream.indirect.scatter.add.f32 [tilespmem:s20], [sflag:$0x2], $0x40, s25, s19, $0xb8;
	[tilespmem:$0x1CF00] =	vst v63  }
0x54: {  	_ =	swait.ge [sflag:s13], $0x2000  }
0x55: {  	[sflag:s13] =	ssyncset.done $0x0  }
0x56: {  	s24 =	sadd.s32 $0x1, s24;
	[sflag:s13] =	ssyncadd.s32 $0xFFFFE000  }
0x57: {  	p0 =	sne.s32 s24, s8;
	[bflag:$0x0] =	sbarrier.arrive $0xFFFF  }
0x58: {  	[hbm:s22], [sflag:s16] =	dma.local [spmem:s23], $0x1400  }
.Ltmp2:
0x59: {  	_ =	swait.ge [sflag:s13], $0x1400;
	(pc) =	sbr.rel @p0 .LBB2_1-.Ltmp2, $3  }
0x5a: {  	[sflag:s13] =	ssyncset.done $0x0  }
0x5b: {  	[sflag:s13] =	ssyncadd.s32 $0xFFFFEC00  }
0x5c: {  	[bflag:$0x0] =	sbarrier.arrive $0xFFFF;
	_ =	sdelay $0x1  }
0x5d: {  	_ =	sfence.sel $0x180000  }
0x5e: {  	[bflag:$0x0] =	sbarrier.arrive $0xFFFF  }
0x5f: {  	p0 =	sne.s32 s2, $0x0;
	_ =	strace $0x9000004D  }
0x60: {  	s0 =	sadd.s32 @!p0 $0x100000, s0;
	[bflag:$0x2] =	sbarrier.arrive $0xFFFF  }
0x61: {  	[sflag:s0] =	ssyncadd.tile.s32 @!p0 $0x1;
	_ =	shalt  }
.Lfunc_end2:
_tile_overlayer_lowered:
.L_overlay_start_2:
0x62: {  	(tag) =	ssettag $0x2  }
0x63: {  	s0 =	rddreg [dreg:$0x0];
	s2 =	stileid.u32  }
0x64: {  	s1 =	rddreg [dreg:$0x1];
	p0 =	sne.s32 s2, $0x0  }
0x65: {  	s3 =	rddreg [dreg:$0x2];
	[bflag:$0x3] =	sbarrier.arrive $0xFFFF;
	s2 =	simm.s32 @!p0 $0x1C02  }
0x66: {  	[timem:s3], [sflag:s2] =	dma.local @!p0 [hbm:s0], s1  }
0x67: {  	s0 =	simm.s32 @!p0 $0x2  }
0x68: {  	_ =	swait.ge @!p0 [sflag:s0], s1  }
0x69: {  	s1 =	ssub.s32 @!p0 $0x0, s1;
	[sflag:s0] =	ssyncset.done @!p0 $0x0  }
0x6a: {  	[sflag:s0] =	ssyncadd.s32 @!p0 s1  }
0x6b: {  	[bflag:$0x3] =	sbarrier.arrive $0xFFFF  }
0x6c: {  	_ =	shalt  }

// kernel: kernel.8.cloned.1.call-start
scs
__scs_entry_jumppad:
0x0: {  	(pc) =	sbr.rel $0x88, $3  }
0x1: {  	(tag) =	ssettag $0x0;
	lr =	simm.s32 $0x1  }
0x2: {  	[smem:$0x3F9B] =	sst lr;
	_ =	strace $0xD0000000  }
0x3: {  	_ = 	snop  }
0x4: {  	_ = 	snop  }
0x5: {  	_ = 	snop  }
0x6: {  	_ = 	snop  }
0x7: {  	_ = 	snop  }
__scs_overlays_trampoline_lowered:
0x8: {  	[smem:$0x3FAA] =	sst s0  }
0x9: {  	[smem:$0x3FAB] =	sst s1  }
0xa: {  	[smem:$0x3FAC] =	sst s2  }
0xb: {  	[smem:$0x3FAD] =	sst s3  }
0xc: {  	[smem:$0x3FAE] =	sst s4  }
0xd: {  	[smem:$0x3FAF] =	sst s5  }
0xe: {  	[smem:$0x3FB0] =	sst s6  }
0xf: {  	[smem:$0x3FB1] =	sst s7  }
0x10: {  	[smem:$0x3FB2] =	sst s8  }
0x11: {  	[smem:$0x3FB3] =	sst s9;
	s0 =	simm.s32 @!p0 $0x0  }
0x12: {  	s1 =	sld [smem:$0x3F99];
	s0 =	simm.s32 @p0 $0x1  }
0x13: {  	[smem:$0x3FB4] =	sst s0;
	s0 =	simm.s32 @!p1 $0x0  }
0x14: {  	s2 =	sld [smem:$0x3F98];
	s0 =	simm.s32 @p1 $0x1  }
0x15: {  	[smem:$0x3FB5] =	sst s0;
	s0 =	simm.s32 @!p2 $0x0  }
0x16: {  	s3 =	sld [smem:$0x3FDB];
	s0 =	simm.s32 @p2 $0x1  }
0x17: {  	s4 =	simm.s32 $0x1BF5;
	[smem:$0x3FB7] =	sst s0  }
0x18: {  	s0 =	sld [smem:$0x3F9A];
	_ =	swait.ge [sflag:s4], $0x0  }
0x19: {  	s7 =	sld [smem:$0x3F9B]  }
0x1a: {  	s8 =	sadd.s32 $0xFFFFE003, lr  }
0x1b: {  	s9 =	sadd.s32 $0xFFFFFEF7, lr;
	s5 =	simm.s32 $0xFFFFFFFF;
	p2 =	slt.u32 s8, $0xFFFFF086  }
0x1c: {  	p1 =	slt.u32 s9, $0xF7A;
	s5 =	simm.s32 @!p2 $0x0  }
0x1d: {  	s5 =	simm.s32 @p1 $0x1;
	p0 =	seq.s32 s7, s2  }
0x1e: {  	s7 =	smul.u32 @!p0 $0xF7A, s2;
	p2 =	seq.s32 @!p0 s5, $0x0  }
0x1f: {  	s9 =	smul.u32 $0xF7A, s1;
	s8 =	simm.s32 @!p0 $0x1BF5;
	p2 =	por !p2, p0  }
0x20: {  	[sflag:s8] =	ssyncset.s32 @!p0 $0xFFFFF086;
	s6 =	sadd.s32 @!p0 s3, s7;
	s7 =	simm.s32 @!p0 $0x108  }
0x21: {  	s3 =	sadd.s32 s3, s9;
	s6 =	sadd.s32 @!p0 $0x88, s6;
	s7 =	simm.s32 @p2 $0x1082  }
0x22: {  	[simem:s7], [sflag:s8] =	dma.local @!p0 [hbm:s6], $0xF7A  }
0x23: {  	s9 =	sor.u32 $0xD0000000, s2;
	s6 =	simm.s32 $0x108;
	_ =	swait.ge @!p0 [sflag:s8], $0x0  }
0x24: {  	s3 =	sadd.s32 $0x88, s3;
	s6 =	simm.s32 @!p1 $0x1082;
	[sflag:s4] =	ssyncset.s32 $0xFFFFF086  }
0x25: {  	[simem:s6], [sflag:s4] =	dma.local [hbm:s3], $0xF7A  }
0x26: {  	[smem:$0x3F9B] =	sst s1;
	(tag) =	ssettag s2;
	_ =	strace s9  }
0x27: {  	s1 =	sld [smem:$0x3FAB]  }
0x28: {  	s2 =	sld [smem:$0x3FAC]  }
0x29: {  	s4 =	sld [smem:$0x3FAE]  }
0x2a: {  	p0 =	seq.s32 s5, $0x0;
	s5 =	sld [smem:$0x3FAF]  }
0x2b: {  	s6 =	sld [smem:$0x3FB0]  }
0x2c: {  	s7 =	sld [smem:$0x3FB1]  }
0x2d: {  	s3 =	simm.s32 $0x108;
	s8 =	sld [smem:$0x3FB2]  }
0x2e: {  	s3 =	simm.s32 @!p0 $0x1082;
	s9 =	sld [smem:$0x3FB3]  }
0x2f: {  	lr =	sadd.s32 s0, s3;
	s0 =	sld [smem:$0x3FAA]  }
0x30: {  	s3 =	sld [smem:$0x3FAD]  }
0x31: {  	[smem:$0x3FB6] =	sst s10  }
0x32: {  	s10 =	sld [smem:$0x3FB4];
	_ =	sdelay $0x3  }
0x33: {  	p0 =	seq.s32 s10, $0x1;
	s10 =	sld [smem:$0x3FB6];
	_ =	sdelay $0x3  }
0x34: {  	[smem:$0x3FB6] =	sst s10  }
0x35: {  	s10 =	sld [smem:$0x3FB5];
	_ =	sdelay $0x3  }
0x36: {  	p1 =	seq.s32 s10, $0x1;
	s10 =	sld [smem:$0x3FB6];
	_ =	sdelay $0x3  }
0x37: {  	[smem:$0x3FB6] =	sst s10  }
0x38: {  	s10 =	sld [smem:$0x3FB7]  }
0x39: {  	_ = 	snop;
	(pc) =	sbr.ind lr, $3  }
0x3a: {  	_ = 	snop  }
0x3b: {  	_ = 	snop  }
0x3c: {  	p2 =	seq.s32 s10, $0x1;
	s10 =	sld [smem:$0x3FB6]  }
0x3d: {  	_ =	shalt  }
0x3e: {  	_ =	shalt  }
0x3f: {  	_ =	shalt  }
0x40: {  	_ =	shalt  }
0x41: {  	_ =	shalt  }
0x42: {  	_ =	shalt  }
0x43: {  	_ =	shalt  }
0x44: {  	_ =	shalt  }
0x45: {  	_ =	shalt  }
0x46: {  	_ =	shalt  }
0x47: {  	_ =	shalt  }
0x48: {  	_ =	shalt  }
0x49: {  	_ =	shalt  }
0x4a: {  	_ =	shalt  }
0x4b: {  	_ =	shalt  }
0x4c: {  	_ =	shalt  }
0x4d: {  	_ =	shalt  }
0x4e: {  	_ =	shalt  }
0x4f: {  	_ =	shalt  }
0x50: {  	_ =	shalt  }
0x51: {  	_ =	shalt  }
0x52: {  	_ =	shalt  }
0x53: {  	_ =	shalt  }
0x54: {  	_ =	shalt  }
0x55: {  	_ =	shalt  }
0x56: {  	_ =	shalt  }
0x57: {  	_ =	shalt  }
0x58: {  	_ =	shalt  }
0x59: {  	_ =	shalt  }
0x5a: {  	_ =	shalt  }
0x5b: {  	_ =	shalt  }
0x5c: {  	_ =	shalt  }
0x5d: {  	_ =	shalt  }
0x5e: {  	_ =	shalt  }
0x5f: {  	_ =	shalt  }
0x60: {  	_ =	shalt  }
0x61: {  	_ =	shalt  }
0x62: {  	_ =	shalt  }
0x63: {  	_ =	shalt  }
0x64: {  	_ =	shalt  }
0x65: {  	_ =	shalt  }
0x66: {  	_ =	shalt  }
0x67: {  	_ =	shalt  }
0x68: {  	_ =	shalt  }
0x69: {  	_ =	shalt  }
0x6a: {  	_ =	shalt  }
0x6b: {  	_ =	shalt  }
0x6c: {  	_ =	shalt  }
0x6d: {  	_ =	shalt  }
0x6e: {  	_ =	shalt  }
0x6f: {  	_ =	shalt  }
0x70: {  	_ =	shalt  }
0x71: {  	_ =	shalt  }
0x72: {  	_ =	shalt  }
0x73: {  	_ =	shalt  }
0x74: {  	_ =	shalt  }
0x75: {  	_ =	shalt  }
0x76: {  	_ =	shalt  }
0x77: {  	_ =	shalt  }
0x78: {  	_ =	shalt  }
0x79: {  	_ =	shalt  }
0x7a: {  	_ =	shalt  }
0x7b: {  	_ =	shalt  }
0x7c: {  	_ =	shalt  }
0x7d: {  	_ =	shalt  }
0x7e: {  	_ =	shalt  }
0x7f: {  	_ =	shalt  }
0x80: {  	_ =	shalt  }
0x81: {  	_ =	shalt  }
0x82: {  	_ =	shalt  }
0x83: {  	_ =	shalt  }
0x84: {  	_ =	shalt  }
0x85: {  	_ =	shalt  }
0x86: {  	_ =	shalt  }
0x87: {  	_ =	shalt  }
.Lfunc_end0:
.L_simem_size_0:
called_computation_lowered:
.L_overlay_start_0:
0x88: {  	s2 =	sld [smem:$0x3FD9]  }
0x89: {  	s3 =	sld [smem:$0x3FFE];
	_ =	sdelay $0x1  }
0x8a: {  	s1 =	srdreg.scid  }
0x8b: {  	s0 =	sand.u32 $0x1, s1  }
0x8c: {  	s17 =	sshll.u32 s0, $0xA;
	s2 =	sadd.s32 s3, s2  }
0x8d: {  	s2 =	sadd.s32 s2, s17  }
0x8e: {  	[smem:$0x3FC2] =	sst s2  }
0x8f: {  	_ = 	snop  }
0x90: {  	s2 =	sld [smem:$0x3FD0];
	(tm) =	ssettm $0x1  }
0x91: {  	s18 =	sld [smem:$0x3FFB];
	_ =	sdelay $0x3  }
0x92: {  	_ =	strace s18  }
0x93: {  	s3 =	sld [smem:$0x3FFC];
	_ =	sdelay $0x3  }
0x94: {  	_ =	strace s3  }
0x95: {  	s3 =	sld [smem:$0x3FFD];
	_ =	sdelay $0x3  }
0x96: {  	_ =	strace s3  }
0x97: {  	_ =	strace $0x8FFFFFFF  }
0x98: {  	s19 =	sld [smem:$0x3FDB];
	_ =	sdelay $0x1  }
0x99: {  	s4 =	simm.s32 $_scs_section_size  }
0x9a: {  	s5 =	simm.s32 $_size__tile_overlayer_lowered;
	s6 =	simm.s32 $_tile_overlayer_lowered  }
0x9b: {  	s22 =	simm.s32 $0x1BFF;
	s21 =	sshll.u32 s6, $0x1;
	s3 =	sadd.s32 s4, s19  }
0x9c: {  	s7 =	simm.s32 $0x0;
	s20 =	sshll.u32 s5, $0x1;
	s5 =	sadd.s32 s21, s3  }
0x9d: {  	[timem:s7], [sflag:s22] =	dma.local [hbm:s5], s20  }
0x9e: {  	_ =	swait.ge [sflag:s22], s20  }
0x9f: {  	s4 =	ssub.s32 $0x0, s20;
	[sflag:s22] =	ssyncset.done $0x0  }
0xa0: {  	[sflag:s22] =	ssyncadd.s32 s4;
	_ =	sdelay $0x1  }
0xa1: {  	s23 =	simm.s32 $0x1B8B  }
0xa2: {  	_ =	swait.ge [sflag:s23], $0x1  }
0xa3: {  	[sflag:s23] =	ssyncset.done $0x0  }
0xa4: {  	s25 =	simm.s32 $0x1B8E;
	s24 =	sld [smem:$0x3FFE];
	[sflag:s23] =	ssyncadd.s32 $0xFFFFFFFF  }
0xa5: {  	s26 =	simm.s32 $execute0_lowered;
	[smem:$0x3FD2] =	sst s25  }
0xa6: {  	s5 =	sshll.u32 s26, $0x1;
	_ =	strace $0x80000046;
	[dreg:$0x1] =	wrdreg $0xFFFFFFFF  }
0xa7: {  	s28 =	simm.s32 $_size_execute0_lowered;
	s3 =	sadd.s32 s3, s5;
	[dreg:$0x0] =	wrdreg $0x0  }
0xa8: {  	s5 =	sshll.u32 s28, $0x1;
	[dreg:$0x2] =	wrdreg s3  }
0xa9: {  	[dreg:$0x3] =	wrdreg s5  }
0xaa: {  	[dreg:$0x4] =	wrdreg $0xC0  }
0xab: {  	_ =	task [dreg:s7], $0x5FFFF  }
0xac: {  	[dreg:$0x1] =	wrdreg $0xFFFFFFFF  }
0xad: {  	[dreg:$0x0] =	wrdreg $0x60  }
0xae: {  	[dreg:$0x2] =	wrdreg s2  }
0xaf: {  	[dreg:$0x3] =	wrdreg s24  }
0xb0: {  	[dreg:$0x4] =	wrdreg $0x2F800  }
0xb1: {  	[dreg:$0x5] =	wrdreg $0x9  }
0xb2: {  	_ =	task.clear_ibuf [dreg:s7], $0x6FFFF;
	_ =	strace $0x90000046  }
0xb3: {  	s29 =	simm.s32 $0x9;
	_ =	strace $0x80000048  }
0xb4: {  	_ =	swait.ge [sflag:s29], $0x1  }
0xb5: {  	[sflag:s29] =	ssyncadd.s32 $0xFFFFFFFF  }
0xb6: {  	_ =	strace $0x90000048  }
0xb7: {  	_ =	sfence  }
0xb8: {  	s30 =	sld [smem:$0x0];
	_ =	sdelay $0x2  }
0xb9: {  	s31 =	sshll.u32 s1, $0xD;
	s1 =	sshrl.u32 s1, $0x2  }
0xba: {  	s3 =	sand.u32 $0x4000, s31;
	s1 =	sadd.s32 s1, s30  }
0xbb: {  	s0 =	sor.u32 s3, s0;
	s1 =	sshll.u32 s1, $0x11  }
0xbc: {  	s0 =	sor.u32 s1, s0  }
0xbd: {  	s0 =	sadd.s32 $0x8F2B, s0  }
0xbe: {  	[sflag:s0] =	ssyncadd.remote.s32 $0x1  }
0xbf: {  	_ =	sfence.sel $0xFFFF  }
0xc0: {  	[dreg:$0x0] =	wrdreg $0xFFFFFFFF;
	(pc) =	sbr.abs _section_cstart, $3  }
0xc1: {  	[dreg:$0x1] =	wrdreg $0xFFFFFFFF  }
0xc2: {  	_ =	task.clear_ibuf [dreg:s7], $0x2FFFF;
	_ =	strace $0x9FFFFFFF  }
0xc3: {  	(tm) =	ssettm $0x7FFFFFFF  }
tec
execute0_lowered:
.L_overlay_start_1:
0x0: {  	(tag) =	ssettag $0x1  }
0x1: {  	s4 =	rddreg [dreg:$0x0]  }
0x2: {  	s5 =	rddreg [dreg:$0x1]  }
0x3: {  	s1 =	srdreg.scid;
	s0 =	stileid.u32  }
0x4: {  	s2 =	rddreg [dreg:$0x2];
	s11 =	simm.s32 $0x1;
	s12 =	simm.s32 $0x2780  }
0x5: {  	s13 =	simm.s32 $0x80;
	s17 =	simm.s32 $0x0;
	s10 =	smul.u32 $0xA000, s0  }
0x6: {  	s6 =	sand.u32 $0x1, s1;
	s3 =	sshll.u32 s0, $0x1;
	s30 =	smul.u32 $0x2800, s0  }
0x7: {  	s1 =	rddreg [dreg:$0x3];
	s31 =	sshll.u32 s0, $0x6;
	s7 =	smul.u32 $0x5000, s6  }
0x8: {  	s8 =	sor.u32 s6, s3;
	s3 =	simm.s32 $0x0;
	s6 =	ssub.s32 $0x2, s6  }
0x9: {  	s8 =	smul.u32 $0x4F0, s8;
	[smem:$0x7FF] =	sst s3;
	s9 =	sshrl.u32 s6, $0x1  }
0xa: {  	s29 =	sshrl.u32 s10, $0x2;
	s15 =	sshrl.u32 s30, $0x3;
	s16 =	sadd.s32 s30, s2  }
0xb: {  	_ =	strace $0x80000047;
	s7 =	sadd.s32 s7, s5;
	s6 =	ssub.s32 s6, s9  }
0xc: {  	s5 =	sadd.s32 s29, s2;
	s16 =	sshrl.u32 s16, $0x3;
	s4 =	sadd.s32 s8, s4  }
0xd: {  	s14 =	sadd.s32 $0x2400, s7;
	s6 =	smax.u32 s6, $0x1;
	s7 =	sadd.s32 $0x800, s5  }
0xe: {  	s8 =	sadd.s32 $0x1000, s5;
	s9 =	sadd.s32 $0x1800, s5;
	s10 =	sadd.s32 $0x2000, s5  }
0xf: {  	v0 =	vimm.f32 $0.0e+00;
	v1 =	vimm.f32 $1.000000000e+00;
	s4 =	sadd.s32 $0x9E00, s4;
	s14 =	sadd.s32 s15, s14;
	s15 =	sor.u32 $0x1C01, s31  }
.LBB2_1:
0x10: {  	[tilespmem:s3], [sflag:$0x1] =	stream.linear.gather [hbm4b:s4+s3], $0x2780, $0x38;
	[tilespmem:$0x5780] =	vst v63  }
0x11: {  	_ =	swait.ge [sflag:s11], $0x2780  }
0x12: {  	[sflag:s11] =	ssyncset.done $0x0  }
0x13: {  	s18 =	simm.s32 $0x40;
	s19 =	simm.s32 $0x0;
	[sflag:s11] =	ssyncadd.s32 $0xFFFFD880  }
.LBB2_2:
0x14: {  	p0 =	sne.s32 s18, $0x1FC0;
	[tilespmem:s19+$0x2780] =	vst v0;
	s19 =	smov.u32 s18;
	s18 =	sadd.s32 $0x40, s18  }
.Ltmp0:
0x15: {  	(pc) =	sbr.rel @p0 .LBB2_2-.Ltmp0, $2  }
0x16: {  	_ =	sdelay $0x2  }
0x17: {  	s19 =	sshra.s32 s19, $0x2  }
0x18: {  	[tilespmem:s19+$0x2780] =	vst v0  }
0x19: {  	[spmem:s5] =	stream.linear.scatter [tilespmem:s12], [sflag:$0x1], $0x800, $0x38;
	[tilespmem:$0x5780] =	vst v63  }
0x1a: {  	_ =	swait.ge [sflag:s11], $0x800  }
0x1b: {  	[sflag:s11] =	ssyncset.done $0x0  }
0x1c: {  	[sflag:s11] =	ssyncadd.s32 $0xFFFFF800  }
0x1d: {  	[spmem:s7] =	stream.linear.scatter [tilespmem:s12], [sflag:$0x1], $0x800, $0x38;
	[tilespmem:$0x5780] =	vst v63  }
0x1e: {  	_ =	swait.ge [sflag:s11], $0x800  }
0x1f: {  	[sflag:s11] =	ssyncset.done $0x0  }
0x20: {  	[sflag:s11] =	ssyncadd.s32 $0xFFFFF800  }
0x21: {  	[spmem:s8] =	stream.linear.scatter [tilespmem:s12], [sflag:$0x1], $0x800, $0x38;
	[tilespmem:$0x5780] =	vst v63  }
0x22: {  	_ =	swait.ge [sflag:s11], $0x800  }
0x23: {  	[sflag:s11] =	ssyncset.done $0x0  }
0x24: {  	[sflag:s11] =	ssyncadd.s32 $0xFFFFF800  }
0x25: {  	[spmem:s9] =	stream.linear.scatter [tilespmem:s12], [sflag:$0x1], $0x800, $0x38;
	[tilespmem:$0x5780] =	vst v63  }
0x26: {  	_ =	swait.ge [sflag:s11], $0x800  }
0x27: {  	[sflag:s11] =	ssyncset.done $0x0  }
0x28: {  	[sflag:s11] =	ssyncadd.s32 $0xFFFFF800  }
0x29: {  	[spmem:s10] =	stream.linear.scatter [tilespmem:s12], [sflag:$0x1], $0x800, $0x38;
	[tilespmem:$0x5780] =	vst v63  }
0x2a: {  	_ =	swait.ge [sflag:s11], $0x800  }
0x2b: {  	[sflag:s11] =	ssyncset.done $0x0  }
0x2c: {  	s18 =	simm.s32 $0x40;
	s19 =	simm.s32 $0x0;
	[sflag:s11] =	ssyncadd.s32 $0xFFFFF800  }
.LBB2_4:
0x2d: {  	p0 =	sne.s32 s18, $0x1FC0;
	[tilespmem:s19+$0x2780] =	vst v1;
	s19 =	smov.u32 s18;
	s18 =	sadd.s32 $0x40, s18  }
.Ltmp1:
0x2e: {  	(pc) =	sbr.rel @p0 .LBB2_4-.Ltmp1, $2  }
0x2f: {  	_ =	sdelay $0x2  }
0x30: {  	s19 =	sshra.s32 s19, $0x2  }
0x31: {  	[tilespmem:s19+$0x2780] =	vst v1  }
0x32: {  	s18 =	simm.s32 $0x0;
	[bflag:$0x0] =	sbarrier.arrive $0xFFFF  }
0x33: {  	[spmem:s2] =	stream.indirect.scatter.add.f32 [tilespmem:s12], [sflag:$0x1], $0x10, s18, s13, $0xb8;
	[tilespmem:$0x5780] =	vst v63  }
0x34: {  	_ =	swait.ge [sflag:s11], $0x800  }
0x35: {  	s18 =	simm.s32 $0x200;
	[sflag:s11] =	ssyncset.done $0x0  }
.LBB2_6:
0x36: {  	s19 =	sshra.s32 s18, $0x2;
	[sflag:s11] =	ssyncadd.s32 $0xFFFFF800;
	p0 =	sne.s32 s18, $0x9C00  }
0x37: {  	[spmem:s2] =	stream.indirect.scatter.add.f32 [tilespmem:s12], [sflag:$0x1], $0x10, s19, s13, $0xb8;
	[tilespmem:$0x5780] =	vst v63  }
.Ltmp2:
0x38: {  	_ = 	snop;
	(pc) =	sbr.rel @p0 .LBB2_6-.Ltmp2, $4  }
0x39: {  	_ = 	snop  }
0x3a: {  	s18 =	sadd.s32 $0x200, s18  }
0x3b: {  	_ =	swait.ge [sflag:s11], $0x800  }
0x3c: {  	[sflag:s11] =	ssyncset.done $0x0  }
0x3d: {  	s17 =	sadd.s32 $0x1, s17  }
0x3e: {  	[sflag:s11] =	ssyncadd.s32 $0xFFFFF800;
	p0 =	sne.s32 s17, s6  }
.Ltmp3:
0x3f: {  	[bflag:$0x0] =	sbarrier.arrive $0xFFFF;
	(pc) =	sbr.rel @p0 .LBB2_1-.Ltmp3, $4  }
0x40: {  	[hbm:s14], [sflag:s15] =	dma.local [spmem:s16], $0x500  }
0x41: {  	_ =	swait.ge [sflag:s11], $0x500  }
0x42: {  	[sflag:s11] =	ssyncset.done $0x0  }
0x43: {  	[sflag:s11] =	ssyncadd.s32 $0xFFFFFB00  }
0x44: {  	_ =	sfence.sel $0x180000  }
0x45: {  	[bflag:$0x0] =	sbarrier.arrive $0xFFFF  }
0x46: {  	p0 =	sne.s32 s0, $0x0;
	_ =	strace $0x90000047  }
0x47: {  	s0 =	sadd.s32 @!p0 $0x100000, s1;
	[bflag:$0x2] =	sbarrier.arrive $0xFFFF  }
0x48: {  	[sflag:s0] =	ssyncadd.tile.s32 @!p0 $0x1;
	_ =	shalt  }
.Lfunc_end2:
_tile_overlayer_lowered:
.L_overlay_start_2:
0x49: {  	(tag) =	ssettag $0x2  }
0x4a: {  	s0 =	rddreg [dreg:$0x0];
	s2 =	stileid.u32  }
0x4b: {  	s1 =	rddreg [dreg:$0x1];
	p0 =	sne.s32 s2, $0x0  }
0x4c: {  	s3 =	rddreg [dreg:$0x2];
	[bflag:$0x3] =	sbarrier.arrive $0xFFFF;
	s2 =	simm.s32 @!p0 $0x1C01  }
0x4d: {  	[timem:s3], [sflag:s2] =	dma.local @!p0 [hbm:s0], s1  }
0x4e: {  	s0 =	simm.s32 @!p0 $0x1  }
0x4f: {  	_ =	swait.ge @!p0 [sflag:s0], s1  }
0x50: {  	s1 =	ssub.s32 @!p0 $0x0, s1;
	[sflag:s0] =	ssyncset.done @!p0 $0x0  }
0x51: {  	[sflag:s0] =	ssyncadd.s32 @!p0 s1  }
0x52: {  	[bflag:$0x3] =	sbarrier.arrive $0xFFFF  }
0x53: {  	_ =	shalt  }

</sc_bundles>
